<compile_context>
chip_gen: v7x
topology: tpu7x:2x2x1
jax: 0.10.2.dev20260603
libtpu: 0.0.44.dev20260713+nightly
codegen_flags: <defaults>
</compile_context>

<pallas_src>
import functools
import math

import numpy as np
import jax
import jax.numpy as jnp
from jax import lax
from jax.experimental import pallas as pl
from jax.experimental.pallas import tpu as pltpu
from jax.experimental.pallas import tpu_sc as plsc

_D = 64
_DP = 128
_MAX_LEN = 512


def _pe_np():
    pe = np.zeros((_MAX_LEN, _D), dtype=np.float32)
    position = np.arange(0.0, _MAX_LEN, dtype=np.float32)[:, None]
    div_term = np.exp(
        np.arange(0.0, _D, 2, dtype=np.float32) * -(math.log(10000.0) / _D))
    pe[:, 0::2] = np.sin(position * div_term)
    pe[:, 1::2] = np.cos(position * div_term)
    return pe


def _roles_tc(W, b, seq):
    pe = jnp.asarray(_pe_np()[:seq])
    scale = math.sqrt(_D)

    def body(pe_ref, w_ref, b_ref, out_ref):
        prod = lax.dot_general(
            pe_ref[...], w_ref[...],
            dimension_numbers=(((1,), (1,)), ((), ())),
            preferred_element_type=jnp.float32)
        out_ref[...] = (prod + b_ref[...] + 1.0) * scale

    return pl.pallas_call(
        body,
        out_shape=jax.ShapeDtypeStruct((seq, _D), jnp.float32),
    )(pe, W, b.reshape(1, _D))


@functools.partial(jax.jit, static_argnums=(3, 4))
def _sc_gather_mul(xf, table128, roles_f, n_ch, ch):
    seq = roles_f.shape[0] // _D
    total = xf.shape[0]
    info = plsc.get_sparse_core_info()
    nc, ns = info.num_cores, info.num_subcores
    nw = nc * ns
    mesh = plsc.VectorSubcoreMesh(core_axis_name="c", subcore_axis_name="s")
    b_per_w = n_ch * ch
    assert b_per_w * nw == total

    nbuf = 4
    ahead = 3
    assert n_ch % nbuf == 0 and ahead < nbuf

    @functools.partial(
        pl.kernel,
        mesh=mesh,
        out_type=jax.ShapeDtypeStruct((total, _DP), jnp.float32),
        scratch_types=[
            pltpu.VMEM((b_per_w,), jnp.int32),
            pltpu.VMEM((2 * seq * _D,), jnp.float32),
            [pltpu.VMEM((ch, _DP), jnp.float32)] * nbuf,
            [pltpu.SemaphoreType.DMA] * nbuf,
            [pltpu.SemaphoreType.DMA] * nbuf,
        ],
    )
    def k(x_hbm, table_hbm, roles_hbm, out_hbm, idx_v, roles_v, rows, gsems,
          ssems):
        wid = lax.axis_index("s") * nc + lax.axis_index("c")
        base = wid * b_per_w
        pltpu.sync_copy(x_hbm.at[pl.ds(base, b_per_w)], idx_v)
        pltpu.sync_copy(roles_hbm, roles_v.at[pl.ds(0, seq * _D)])
        pltpu.sync_copy(roles_hbm, roles_v.at[pl.ds(seq * _D, seq * _D)])

        def gather(c, b):
            return pltpu.async_copy(
                table_hbm.at[idx_v.at[pl.ds(c * ch, ch)]], rows[b], gsems[b])

        def store(c, b):
            return pltpu.async_copy(rows[b], out_hbm.at[pl.ds(base + c * ch,
                                                              ch)], ssems[b])

        for cc in range(ahead):
            gather(cc, cc % nbuf)

        def group(g, carry):
            for b in range(nbuf):
                cc = g * nbuf + b
                pltpu.make_async_copy(
                    table_hbm.at[idx_v.at[pl.ds(cc * ch, ch)]], rows[b],
                    gsems[b]).wait()
                p0 = lax.rem(cc * ch, seq)

                @plsc.parallel_loop(0, ch, unroll=4)
                def _(i):
                    r0 = (p0 + i) * _D
                    for j in range(_D // 16):
                        sl = pl.ds(j * 16, 16)
                        rows[b][i, sl] = (rows[b][i, sl] *
                                          roles_v[pl.ds(r0 + j * 16, 16)])

                store(cc, b)
                cn = cc + ahead
                b2 = (b + ahead) % nbuf

                @pl.when(cn < n_ch)
                def _():
                    @pl.when(cc >= nbuf - ahead)
                    def _():
                        pltpu.make_async_copy(
                            rows[b2], out_hbm.at[pl.ds(base, ch)],
                            ssems[b2]).wait()

                    gather(cn, b2)
            return carry

        lax.fori_loop(0, n_ch // nbuf, group, 0)
        for b in range(nbuf):
            pltpu.make_async_copy(rows[b], out_hbm.at[pl.ds(base, ch)],
                                  ssems[b]).wait()

    return k(xf, table128, roles_f)


def kernel(x, table, W, b):
    batch, seq = x.shape
    d = table.shape[1]
    roles = _roles_tc(W, b, seq)
    total = batch * seq
    nw = 32
    ch = 128
    b_per_w = total // nw
    n_ch = b_per_w // ch
    xf = x.reshape(-1).astype(jnp.int32)
    table128 = jnp.pad(table, ((0, 0), (0, _DP - d)))
    out128 = _sc_gather_mul(xf, table128, roles.reshape(-1), n_ch, ch)
    return out128[:, :d].reshape(batch, seq, d)

# --- scband reference (transcript-rebuilt; emitter-appended) ---
"""Pipeline reference for scband-role-filler-embedding-19808389169511 (READ-ONLY COPY).

The authoritative reference and input builder live on the scoring server;
editing this copy changes nothing except your own understanding.
"""

import jax, jax.numpy as jnp
import numpy as np
import math

VOCAB = 1000000
D_MODEL = 64
MAX_LEN = 512
BATCH = 4096
SEQ = 200

def _make_pe():
    pe = np.zeros((MAX_LEN, D_MODEL), dtype=np.float32)
    position = np.arange(0.0, MAX_LEN, dtype=np.float32)[:, None]
    div_term = np.exp(np.arange(0.0, D_MODEL, 2, dtype=np.float32) * -(math.log(10000.0) / D_MODEL))
    pe[:, 0::2] = np.sin(position * div_term)
    pe[:, 1::2] = np.cos(position * div_term)
    return jnp.asarray(pe[None])  # [1, MAX_LEN, D_MODEL]

def setup_inputs(seed: int = 0) -> dict:
    key = jax.random.key(seed)
    k1, k2, k3 = jax.random.split(key, 3)
    x = jax.random.randint(k1, (BATCH, SEQ), 0, VOCAB, dtype=jnp.int64)
    table = jax.random.normal(k2, (VOCAB, D_MODEL), dtype=jnp.float32) * (1.0 / math.sqrt(D_MODEL))
    W = jax.random.normal(k3, (D_MODEL, D_MODEL), dtype=jnp.float32) * (1.0 / math.sqrt(D_MODEL))
    b = jnp.zeros((D_MODEL,), dtype=jnp.float32)
    return {"x": x, "table": table, "W": W, "b": b}

def reference(x, table, W, b):
    seq_len = x.shape[1]
    # token embedding lookup (gather) scaled by sqrt(d_model)
    token_emb = jnp.take(table, x, axis=0) * math.sqrt(D_MODEL)
    # sinusoidal positional encoding (buffer, not trainable)
    pos_emb = _make_pe()[:, :seq_len]  # [1, seq_len, D_MODEL]
    # role transform: Linear(d_model, d_model) + 1
    roles = pos_emb @ W.T + b + 1.0
    # multiplicative binding; dropout p=0.0 -> identity
    bound = token_emb * roles
    return bound

if __name__ == "__main__":
    import jax
    _d = setup_inputs()
    print(jax.jit(kernel)(*tuple(_d.values())))

</pallas_src>

<mosaic_0001>
#map = affine_map<(d0, d1) -> (0)>
#map1 = affine_map<(d0, d1) -> (0, 0)>
module attributes {stable_mosaic.version = 14 : i64} {
  func.func @k(%arg0: i32, %arg1: i32, %arg2: memref<819200xi32, #tpu.memory_space<hbm>>, %arg3: memref<1000000x128xf32, #tpu.memory_space<hbm>>, %arg4: memref<12800xf32, #tpu.memory_space<hbm>>, %arg5: memref<819200x128xf32, #tpu.memory_space<hbm>>, %arg6: memref<25600xi32, #tpu.memory_space<vmem>>, %arg7: memref<25600xf32, #tpu.memory_space<vmem>>, %arg8: memref<128x128xf32, #tpu.memory_space<vmem>>, %arg9: memref<128x128xf32, #tpu.memory_space<vmem>>, %arg10: memref<128x128xf32, #tpu.memory_space<vmem>>, %arg11: memref<128x128xf32, #tpu.memory_space<vmem>>, %arg12: memref<!tpu.dma_semaphore, #tpu.memory_space<semaphore_mem>>, %arg13: memref<!tpu.dma_semaphore, #tpu.memory_space<semaphore_mem>>, %arg14: memref<!tpu.dma_semaphore, #tpu.memory_space<semaphore_mem>>, %arg15: memref<!tpu.dma_semaphore, #tpu.memory_space<semaphore_mem>>, %arg16: memref<!tpu.dma_semaphore, #tpu.memory_space<semaphore_mem>>, %arg17: memref<!tpu.dma_semaphore, #tpu.memory_space<semaphore_mem>>, %arg18: memref<!tpu.dma_semaphore, #tpu.memory_space<semaphore_mem>>, %arg19: memref<!tpu.dma_semaphore, #tpu.memory_space<semaphore_mem>>) attributes {dimension_semantics = [#tpu.dimension_semantics<core_parallel>, #tpu.dimension_semantics<subcore_parallel>], iteration_bounds = array<i64: 2, 16>, scalar_prefetch = 0 : i64, scratch_operands = 14 : i64, tpu.core_type = #tpu.core_type<sc_vector_subcore>, window_params = [{transform_indices = #map}, {transform_indices = #map1}, {transform_indices = #map}, {transform_indices = #map1}]} {
    %mul3A = arith.constant 2 : i32
    %mul3A_0 = arith.muli %arg1, %mul3A : i32
    %add3A = arith.addi %mul3A_0, %arg0 : i32
    %mul3A_1 = arith.constant 25600 : i32
    %mul3A_2 = arith.muli %add3A, %mul3A_1 : i32
    "tpu.region"() ({
      %run_scoped3A = tpu.sem_alloc : memref<!tpu.dma_semaphore, #tpu.memory_space<semaphore_mem>>
      %dma_start3A_37 = tpu.memref_slice %arg2[%mul3A_2] : memref<819200xi32, #tpu.memory_space<hbm>> -> memref<25600xi32, #tpu.memory_space<hbm>>
      %dma_start3A_38 = tpu.memref_slice %arg2[%mul3A_2] : memref<819200xi32, #tpu.memory_space<hbm>> -> memref<25600xi32, #tpu.memory_space<hbm>>
      tpu.enqueue_dma source(%dma_start3A_38 : memref<25600xi32, #tpu.memory_space<hbm>>) target(%arg6 : memref<25600xi32, #tpu.memory_space<vmem>>) target_semaphore(%run_scoped3A : memref<!tpu.dma_semaphore, #tpu.memory_space<semaphore_mem>>)
      %dma_wait3A_39 = tpu.memref_slice %arg2[%mul3A_2] : memref<819200xi32, #tpu.memory_space<hbm>> -> memref<25600xi32, #tpu.memory_space<hbm>>
      %dma_wait3A_40 = tpu.memref_slice %arg2[%mul3A_2] : memref<819200xi32, #tpu.memory_space<hbm>> -> memref<25600xi32, #tpu.memory_space<hbm>>
      tpu.wait_dma2 semaphore(%run_scoped3A : memref<!tpu.dma_semaphore, #tpu.memory_space<semaphore_mem>>) src(%dma_wait3A_40 : memref<25600xi32, #tpu.memory_space<hbm>>) dst(%arg6 : memref<25600xi32, #tpu.memory_space<vmem>>)
      tpu.yield
    }) : () -> ()
    "tpu.region"() ({
      %run_scoped3A = tpu.sem_alloc : memref<!tpu.dma_semaphore, #tpu.memory_space<semaphore_mem>>
      %dma_start3A_37 = arith.constant 0 : i32
      %dma_start3A_38 = tpu.memref_slice %arg7[%dma_start3A_37] : memref<25600xf32, #tpu.memory_space<vmem>> -> memref<12800xf32, #tpu.memory_space<vmem>>
      %dma_start3A_39 = arith.constant 0 : i32
      %dma_start3A_40 = tpu.memref_slice %arg7[%dma_start3A_39] : memref<25600xf32, #tpu.memory_space<vmem>> -> memref<12800xf32, #tpu.memory_space<vmem>>
      tpu.enqueue_dma source(%arg4 : memref<12800xf32, #tpu.memory_space<hbm>>) target(%dma_start3A_40 : memref<12800xf32, #tpu.memory_space<vmem>>) target_semaphore(%run_scoped3A : memref<!tpu.dma_semaphore, #tpu.memory_space<semaphore_mem>>)
      %dma_wait3A_41 = arith.constant 0 : i32
      %dma_wait3A_42 = tpu.memref_slice %arg7[%dma_wait3A_41] : memref<25600xf32, #tpu.memory_space<vmem>> -> memref<12800xf32, #tpu.memory_space<vmem>>
      %dma_wait3A_43 = arith.constant 0 : i32
      %dma_wait3A_44 = tpu.memref_slice %arg7[%dma_wait3A_43] : memref<25600xf32, #tpu.memory_space<vmem>> -> memref<12800xf32, #tpu.memory_space<vmem>>
      tpu.wait_dma2 semaphore(%run_scoped3A : memref<!tpu.dma_semaphore, #tpu.memory_space<semaphore_mem>>) src(%arg4 : memref<12800xf32, #tpu.memory_space<hbm>>) dst(%dma_wait3A_44 : memref<12800xf32, #tpu.memory_space<vmem>>)
      tpu.yield
    }) : () -> ()
    "tpu.region"() ({
      %run_scoped3A = tpu.sem_alloc : memref<!tpu.dma_semaphore, #tpu.memory_space<semaphore_mem>>
      %dma_start3A_37 = arith.constant 12800 : i32
      %dma_start3A_38 = tpu.memref_slice %arg7[%dma_start3A_37] : memref<25600xf32, #tpu.memory_space<vmem>> -> memref<12800xf32, #tpu.memory_space<vmem>>
      %dma_start3A_39 = arith.constant 12800 : i32
      %dma_start3A_40 = tpu.memref_slice %arg7[%dma_start3A_39] : memref<25600xf32, #tpu.memory_space<vmem>> -> memref<12800xf32, #tpu.memory_space<vmem>>
      tpu.enqueue_dma source(%arg4 : memref<12800xf32, #tpu.memory_space<hbm>>) target(%dma_start3A_40 : memref<12800xf32, #tpu.memory_space<vmem>>) target_semaphore(%run_scoped3A : memref<!tpu.dma_semaphore, #tpu.memory_space<semaphore_mem>>)
      %dma_wait3A_41 = arith.constant 12800 : i32
      %dma_wait3A_42 = tpu.memref_slice %arg7[%dma_wait3A_41] : memref<25600xf32, #tpu.memory_space<vmem>> -> memref<12800xf32, #tpu.memory_space<vmem>>
      %dma_wait3A_43 = arith.constant 12800 : i32
      %dma_wait3A_44 = tpu.memref_slice %arg7[%dma_wait3A_43] : memref<25600xf32, #tpu.memory_space<vmem>> -> memref<12800xf32, #tpu.memory_space<vmem>>
      tpu.wait_dma2 semaphore(%run_scoped3A : memref<!tpu.dma_semaphore, #tpu.memory_space<semaphore_mem>>) src(%arg4 : memref<12800xf32, #tpu.memory_space<hbm>>) dst(%dma_wait3A_44 : memref<12800xf32, #tpu.memory_space<vmem>>)
      tpu.yield
    }) : () -> ()
    %dma_start3A = arith.constant 0 : i32
    %dma_start3A_3 = tpu.memref_slice %arg6[%dma_start3A] : memref<25600xi32, #tpu.memory_space<vmem>> -> memref<128xi32, #tpu.memory_space<vmem>>
    %dma_start3A_4 = arith.constant 0 : i32
    %dma_start3A_5 = arith.constant 0 : i32
    %dma_start3A_6 = tpu.memref_slice %arg3[%dma_start3A_4, %dma_start3A_5] : memref<1000000x128xf32, #tpu.memory_space<hbm>> -> memref<1000000x128xf32, #tpu.memory_space<hbm>>
    tpu.enqueue_indirect_dma source(%dma_start3A_6 : memref<1000000x128xf32, #tpu.memory_space<hbm>>) target(%arg8 : memref<128x128xf32, #tpu.memory_space<vmem>>) offsets(%dma_start3A_3 : memref<128xi32, #tpu.memory_space<vmem>>) semaphore(%arg12 : memref<!tpu.dma_semaphore, #tpu.memory_space<semaphore_mem>>)
    %dma_start3A_7 = arith.constant 128 : i32
    %dma_start3A_8 = tpu.memref_slice %arg6[%dma_start3A_7] : memref<25600xi32, #tpu.memory_space<vmem>> -> memref<128xi32, #tpu.memory_space<vmem>>
    %dma_start3A_9 = arith.constant 0 : i32
    %dma_start3A_10 = arith.constant 0 : i32
    %dma_start3A_11 = tpu.memref_slice %arg3[%dma_start3A_9, %dma_start3A_10] : memref<1000000x128xf32, #tpu.memory_space<hbm>> -> memref<1000000x128xf32, #tpu.memory_space<hbm>>
    tpu.enqueue_indirect_dma source(%dma_start3A_11 : memref<1000000x128xf32, #tpu.memory_space<hbm>>) target(%arg9 : memref<128x128xf32, #tpu.memory_space<vmem>>) offsets(%dma_start3A_8 : memref<128xi32, #tpu.memory_space<vmem>>) semaphore(%arg13 : memref<!tpu.dma_semaphore, #tpu.memory_space<semaphore_mem>>)
    %dma_start3A_12 = arith.constant 256 : i32
    %dma_start3A_13 = tpu.memref_slice %arg6[%dma_start3A_12] : memref<25600xi32, #tpu.memory_space<vmem>> -> memref<128xi32, #tpu.memory_space<vmem>>
    %dma_start3A_14 = arith.constant 0 : i32
    %dma_start3A_15 = arith.constant 0 : i32
    %dma_start3A_16 = tpu.memref_slice %arg3[%dma_start3A_14, %dma_start3A_15] : memref<1000000x128xf32, #tpu.memory_space<hbm>> -> memref<1000000x128xf32, #tpu.memory_space<hbm>>
    tpu.enqueue_indirect_dma source(%dma_start3A_16 : memref<1000000x128xf32, #tpu.memory_space<hbm>>) target(%arg10 : memref<128x128xf32, #tpu.memory_space<vmem>>) offsets(%dma_start3A_13 : memref<128xi32, #tpu.memory_space<vmem>>) semaphore(%arg14 : memref<!tpu.dma_semaphore, #tpu.memory_space<semaphore_mem>>)
    %scan3A = arith.constant 0 : i32
    %scan3A_17 = arith.constant 0 : i32
    %scan3A_18 = arith.constant 50 : i32
    %scan3A_19 = arith.addi %scan3A_17, %scan3A_18 : i32
    %scan3A_20 = arith.constant 1 : i32
    scf.for %scan3A_37 = %scan3A_17 to %scan3A_19 step %scan3A_20  : i32 {
      %mul3A_38 = arith.constant 4 : i32
      %mul3A_39 = arith.muli %scan3A_37, %mul3A_38 : i32
      %add3A_40 = arith.constant 0 : i32
      %add3A_41 = arith.addi %mul3A_39, %add3A_40 : i32
      %mul3A_42 = arith.constant 128 : i32
      %mul3A_43 = arith.muli %add3A_41, %mul3A_42 : i32
      %dma_wait3A_44 = tpu.memref_slice %arg6[%mul3A_43] : memref<25600xi32, #tpu.memory_space<vmem>> -> memref<128xi32, #tpu.memory_space<vmem>>
      %dma_wait3A_45 = arith.constant 0 : i32
      %dma_wait3A_46 = arith.constant 0 : i32
      %dma_wait3A_47 = tpu.memref_slice %arg3[%dma_wait3A_45, %dma_wait3A_46] : memref<1000000x128xf32, #tpu.memory_space<hbm>> -> memref<1000000x128xf32, #tpu.memory_space<hbm>>
      tpu.wait_indirect_dma semaphore(%arg12 : memref<!tpu.dma_semaphore, #tpu.memory_space<semaphore_mem>>) src(%dma_wait3A_47 : memref<1000000x128xf32, #tpu.memory_space<hbm>>) dst(%arg8 : memref<128x128xf32, #tpu.memory_space<vmem>>)
      %mul3A_48 = arith.constant 128 : i32
      %mul3A_49 = arith.muli %add3A_41, %mul3A_48 : i32
      %rem3A = arith.constant 200 : i32
      %rem3A_50 = arith.remsi %mul3A_49, %rem3A : i32
      %parallel_loop3A = arith.constant 0 : i32
      %parallel_loop3A_51 = arith.constant 128 : i32
      %parallel_loop3A_52 = arith.constant 1 : i32
      scf.for %parallel_loop3A_157 = %parallel_loop3A to %parallel_loop3A_51 step %parallel_loop3A_52  : i32 {
        %parallel_loop3A_158 = arith.addi %rem3A_50, %parallel_loop3A_157 : i32
        %parallel_loop3A_159 = arith.constant 64 : i32
        %parallel_loop3A_160 = arith.muli %parallel_loop3A_158, %parallel_loop3A_159 : i32
        %parallel_loop3A_161 = arith.index_cast %parallel_loop3A_157 : i32 to index
        %parallel_loop3A_162 = arith.constant 0 : index
        %parallel_loop3A_163 = tpu.vector_load %arg8[%parallel_loop3A_161, %parallel_loop3A_162] {strides = array<i32>} : memref<128x128xf32, #tpu.memory_space<vmem>>, vector<1x16xf32>,
        %parallel_loop3A_164 = vector.shape_cast %parallel_loop3A_163 : vector<1x16xf32> to vector<16xf32>
        %parallel_loop3A_165 = arith.constant 0 : i32
        %parallel_loop3A_166 = arith.addi %parallel_loop3A_160, %parallel_loop3A_165 : i32
        %parallel_loop3A_167 = arith.index_cast %parallel_loop3A_166 : i32 to index
        %parallel_loop3A_168 = tpu.vector_load %arg7[%parallel_loop3A_167] {strides = array<i32>} : memref<25600xf32, #tpu.memory_space<vmem>>, vector<16xf32>,
        %parallel_loop3A_169 = vector.shape_cast %parallel_loop3A_168 : vector<16xf32> to vector<16xf32>
        %parallel_loop3A_170 = arith.mulf %parallel_loop3A_164, %parallel_loop3A_169 : vector<16xf32>
        %parallel_loop3A_171 = arith.index_cast %parallel_loop3A_157 : i32 to index
        %parallel_loop3A_172 = arith.constant 0 : index
        %parallel_loop3A_173 = tpu.vector_load %arg8[%parallel_loop3A_171, %parallel_loop3A_172] {strides = array<i32>} : memref<128x128xf32, #tpu.memory_space<vmem>>, vector<1x16xf32>,
        %parallel_loop3A_174 = vector.shape_cast %parallel_loop3A_173 : vector<1x16xf32> to vector<16xf32>
        %parallel_loop3A_175 = vector.shape_cast %parallel_loop3A_170 : vector<16xf32> to vector<1x16xf32>
        tpu.vector_store %arg8[%parallel_loop3A_171, %parallel_loop3A_172], %parallel_loop3A_175 {strides = array<i32>} : memref<128x128xf32, #tpu.memory_space<vmem>>, vector<1x16xf32>,
        %parallel_loop3A_176 = arith.index_cast %parallel_loop3A_157 : i32 to index
        %parallel_loop3A_177 = arith.constant 16 : index
        %parallel_loop3A_178 = tpu.vector_load %arg8[%parallel_loop3A_176, %parallel_loop3A_177] {strides = array<i32>} : memref<128x128xf32, #tpu.memory_space<vmem>>, vector<1x16xf32>,
        %parallel_loop3A_179 = vector.shape_cast %parallel_loop3A_178 : vector<1x16xf32> to vector<16xf32>
        %parallel_loop3A_180 = arith.constant 16 : i32
        %parallel_loop3A_181 = arith.addi %parallel_loop3A_160, %parallel_loop3A_180 : i32
        %parallel_loop3A_182 = arith.index_cast %parallel_loop3A_181 : i32 to index
        %parallel_loop3A_183 = tpu.vector_load %arg7[%parallel_loop3A_182] {strides = array<i32>} : memref<25600xf32, #tpu.memory_space<vmem>>, vector<16xf32>,
        %parallel_loop3A_184 = vector.shape_cast %parallel_loop3A_183 : vector<16xf32> to vector<16xf32>
        %parallel_loop3A_185 = arith.mulf %parallel_loop3A_179, %parallel_loop3A_184 : vector<16xf32>
        %parallel_loop3A_186 = arith.index_cast %parallel_loop3A_157 : i32 to index
        %parallel_loop3A_187 = arith.constant 16 : index
        %parallel_loop3A_188 = tpu.vector_load %arg8[%parallel_loop3A_186, %parallel_loop3A_187] {strides = array<i32>} : memref<128x128xf32, #tpu.memory_space<vmem>>, vector<1x16xf32>,
        %parallel_loop3A_189 = vector.shape_cast %parallel_loop3A_188 : vector<1x16xf32> to vector<16xf32>
        %parallel_loop3A_190 = vector.shape_cast %parallel_loop3A_185 : vector<16xf32> to vector<1x16xf32>
        tpu.vector_store %arg8[%parallel_loop3A_186, %parallel_loop3A_187], %parallel_loop3A_190 {strides = array<i32>} : memref<128x128xf32, #tpu.memory_space<vmem>>, vector<1x16xf32>,
        %parallel_loop3A_191 = arith.index_cast %parallel_loop3A_157 : i32 to index
        %parallel_loop3A_192 = arith.constant 32 : index
        %parallel_loop3A_193 = tpu.vector_load %arg8[%parallel_loop3A_191, %parallel_loop3A_192] {strides = array<i32>} : memref<128x128xf32, #tpu.memory_space<vmem>>, vector<1x16xf32>,
        %parallel_loop3A_194 = vector.shape_cast %parallel_loop3A_193 : vector<1x16xf32> to vector<16xf32>
        %parallel_loop3A_195 = arith.constant 32 : i32
        %parallel_loop3A_196 = arith.addi %parallel_loop3A_160, %parallel_loop3A_195 : i32
        %parallel_loop3A_197 = arith.index_cast %parallel_loop3A_196 : i32 to index
        %parallel_loop3A_198 = tpu.vector_load %arg7[%parallel_loop3A_197] {strides = array<i32>} : memref<25600xf32, #tpu.memory_space<vmem>>, vector<16xf32>,
        %parallel_loop3A_199 = vector.shape_cast %parallel_loop3A_198 : vector<16xf32> to vector<16xf32>
        %parallel_loop3A_200 = arith.mulf %parallel_loop3A_194, %parallel_loop3A_199 : vector<16xf32>
        %parallel_loop3A_201 = arith.index_cast %parallel_loop3A_157 : i32 to index
        %parallel_loop3A_202 = arith.constant 32 : index
        %parallel_loop3A_203 = tpu.vector_load %arg8[%parallel_loop3A_201, %parallel_loop3A_202] {strides = array<i32>} : memref<128x128xf32, #tpu.memory_space<vmem>>, vector<1x16xf32>,
        %parallel_loop3A_204 = vector.shape_cast %parallel_loop3A_203 : vector<1x16xf32> to vector<16xf32>
        %parallel_loop3A_205 = vector.shape_cast %parallel_loop3A_200 : vector<16xf32> to vector<1x16xf32>
        tpu.vector_store %arg8[%parallel_loop3A_201, %parallel_loop3A_202], %parallel_loop3A_205 {strides = array<i32>} : memref<128x128xf32, #tpu.memory_space<vmem>>, vector<1x16xf32>,
        %parallel_loop3A_206 = arith.index_cast %parallel_loop3A_157 : i32 to index
        %parallel_loop3A_207 = arith.constant 48 : index
        %parallel_loop3A_208 = tpu.vector_load %arg8[%parallel_loop3A_206, %parallel_loop3A_207] {strides = array<i32>} : memref<128x128xf32, #tpu.memory_space<vmem>>, vector<1x16xf32>,
        %parallel_loop3A_209 = vector.shape_cast %parallel_loop3A_208 : vector<1x16xf32> to vector<16xf32>
        %parallel_loop3A_210 = arith.constant 48 : i32
        %parallel_loop3A_211 = arith.addi %parallel_loop3A_160, %parallel_loop3A_210 : i32
        %parallel_loop3A_212 = arith.index_cast %parallel_loop3A_211 : i32 to index
        %parallel_loop3A_213 = tpu.vector_load %arg7[%parallel_loop3A_212] {strides = array<i32>} : memref<25600xf32, #tpu.memory_space<vmem>>, vector<16xf32>,
        %parallel_loop3A_214 = vector.shape_cast %parallel_loop3A_213 : vector<16xf32> to vector<16xf32>
        %parallel_loop3A_215 = arith.mulf %parallel_loop3A_209, %parallel_loop3A_214 : vector<16xf32>
        %parallel_loop3A_216 = arith.index_cast %parallel_loop3A_157 : i32 to index
        %parallel_loop3A_217 = arith.constant 48 : index
        %parallel_loop3A_218 = tpu.vector_load %arg8[%parallel_loop3A_216, %parallel_loop3A_217] {strides = array<i32>} : memref<128x128xf32, #tpu.memory_space<vmem>>, vector<1x16xf32>,
        %parallel_loop3A_219 = vector.shape_cast %parallel_loop3A_218 : vector<1x16xf32> to vector<16xf32>
        %parallel_loop3A_220 = vector.shape_cast %parallel_loop3A_215 : vector<16xf32> to vector<1x16xf32>
        tpu.vector_store %arg8[%parallel_loop3A_216, %parallel_loop3A_217], %parallel_loop3A_220 {strides = array<i32>} : memref<128x128xf32, #tpu.memory_space<vmem>>, vector<1x16xf32>,
      } {sc.loop_unroll_factor = 4 : i64, sc.parallel_access}
      %mul3A_53 = arith.constant 128 : i32
      %mul3A_54 = arith.muli %add3A_41, %mul3A_53 : i32
      %add3A_55 = arith.addi %mul3A_2, %mul3A_54 : i32
      %dma_start3A_56 = arith.constant 0 : i32
      %dma_start3A_57 = tpu.memref_slice %arg5[%add3A_55, %dma_start3A_56] : memref<819200x128xf32, #tpu.memory_space<hbm>> -> memref<128x128xf32, #tpu.memory_space<hbm>>
      %dma_start3A_58 = arith.constant 0 : i32
      %dma_start3A_59 = tpu.memref_slice %arg5[%add3A_55, %dma_start3A_58] : memref<819200x128xf32, #tpu.memory_space<hbm>> -> memref<128x128xf32, #tpu.memory_space<hbm>>
      tpu.enqueue_dma source(%arg8 : memref<128x128xf32, #tpu.memory_space<vmem>>) target(%dma_start3A_59 : memref<128x128xf32, #tpu.memory_space<hbm>>) target_semaphore(%arg16 : memref<!tpu.dma_semaphore, #tpu.memory_space<semaphore_mem>>)
      %add3A_60 = arith.constant 3 : i32
      %add3A_61 = arith.addi %add3A_41, %add3A_60 : i32
      %lt3A = arith.constant 200 : i32
      %lt3A_62 = arith.cmpi slt, %add3A_61, %lt3A : i32
      %convert_element_type3A = arith.extui %lt3A_62 : i1 to i32
      %cond3A = arith.constant 0 : i32
      %cond3A_63 = arith.cmpi ne, %convert_element_type3A, %cond3A : i32
      scf.if %cond3A_63 {
        %ge3A = arith.constant 1 : i32
        %ge3A_157 = arith.cmpi sge, %add3A_41, %ge3A : i32
        %convert_element_type3A_158 = arith.extui %ge3A_157 : i1 to i32
        %cond3A_159 = arith.constant 0 : i32
        %cond3A_160 = arith.cmpi ne, %convert_element_type3A_158, %cond3A_159 : i32
        scf.if %cond3A_160 {
          %dma_wait3A_167 = arith.constant 0 : i32
          %dma_wait3A_168 = tpu.memref_slice %arg5[%mul3A_2, %dma_wait3A_167] : memref<819200x128xf32, #tpu.memory_space<hbm>> -> memref<128x128xf32, #tpu.memory_space<hbm>>
          %dma_wait3A_169 = arith.constant 0 : i32
          %dma_wait3A_170 = tpu.memref_slice %arg5[%mul3A_2, %dma_wait3A_169] : memref<819200x128xf32, #tpu.memory_space<hbm>> -> memref<128x128xf32, #tpu.memory_space<hbm>>
          tpu.wait_dma2 semaphore(%arg19 : memref<!tpu.dma_semaphore, #tpu.memory_space<semaphore_mem>>) src(%arg11 : memref<128x128xf32, #tpu.memory_space<vmem>>) dst(%dma_wait3A_170 : memref<128x128xf32, #tpu.memory_space<hbm>>)
        } else {
        }
        %mul3A_161 = arith.constant 128 : i32
        %mul3A_162 = arith.muli %add3A_61, %mul3A_161 : i32
        %dma_start3A_163 = tpu.memref_slice %arg6[%mul3A_162] : memref<25600xi32, #tpu.memory_space<vmem>> -> memref<128xi32, #tpu.memory_space<vmem>>
        %dma_start3A_164 = arith.constant 0 : i32
        %dma_start3A_165 = arith.constant 0 : i32
        %dma_start3A_166 = tpu.memref_slice %arg3[%dma_start3A_164, %dma_start3A_165] : memref<1000000x128xf32, #tpu.memory_space<hbm>> -> memref<1000000x128xf32, #tpu.memory_space<hbm>>
        tpu.enqueue_indirect_dma source(%dma_start3A_166 : memref<1000000x128xf32, #tpu.memory_space<hbm>>) target(%arg11 : memref<128x128xf32, #tpu.memory_space<vmem>>) offsets(%dma_start3A_163 : memref<128xi32, #tpu.memory_space<vmem>>) semaphore(%arg15 : memref<!tpu.dma_semaphore, #tpu.memory_space<semaphore_mem>>)
      } else {
      }
      %mul3A_64 = arith.constant 4 : i32
      %mul3A_65 = arith.muli %scan3A_37, %mul3A_64 : i32
      %add3A_66 = arith.constant 1 : i32
      %add3A_67 = arith.addi %mul3A_65, %add3A_66 : i32
      %mul3A_68 = arith.constant 128 : i32
      %mul3A_69 = arith.muli %add3A_67, %mul3A_68 : i32
      %dma_wait3A_70 = tpu.memref_slice %arg6[%mul3A_69] : memref<25600xi32, #tpu.memory_space<vmem>> -> memref<128xi32, #tpu.memory_space<vmem>>
      %dma_wait3A_71 = arith.constant 0 : i32
      %dma_wait3A_72 = arith.constant 0 : i32
      %dma_wait3A_73 = tpu.memref_slice %arg3[%dma_wait3A_71, %dma_wait3A_72] : memref<1000000x128xf32, #tpu.memory_space<hbm>> -> memref<1000000x128xf32, #tpu.memory_space<hbm>>
      tpu.wait_indirect_dma semaphore(%arg13 : memref<!tpu.dma_semaphore, #tpu.memory_space<semaphore_mem>>) src(%dma_wait3A_73 : memref<1000000x128xf32, #tpu.memory_space<hbm>>) dst(%arg9 : memref<128x128xf32, #tpu.memory_space<vmem>>)
      %mul3A_74 = arith.constant 128 : i32
      %mul3A_75 = arith.muli %add3A_67, %mul3A_74 : i32
      %rem3A_76 = arith.constant 200 : i32
      %rem3A_77 = arith.remsi %mul3A_75, %rem3A_76 : i32
      %parallel_loop3A_78 = arith.constant 0 : i32
      %parallel_loop3A_79 = arith.constant 128 : i32
      %parallel_loop3A_80 = arith.constant 1 : i32
      scf.for %parallel_loop3A_157 = %parallel_loop3A_78 to %parallel_loop3A_79 step %parallel_loop3A_80  : i32 {
        %parallel_loop3A_158 = arith.addi %rem3A_77, %parallel_loop3A_157 : i32
        %parallel_loop3A_159 = arith.constant 64 : i32
        %parallel_loop3A_160 = arith.muli %parallel_loop3A_158, %parallel_loop3A_159 : i32
        %parallel_loop3A_161 = arith.index_cast %parallel_loop3A_157 : i32 to index
        %parallel_loop3A_162 = arith.constant 0 : index
        %parallel_loop3A_163 = tpu.vector_load %arg9[%parallel_loop3A_161, %parallel_loop3A_162] {strides = array<i32>} : memref<128x128xf32, #tpu.memory_space<vmem>>, vector<1x16xf32>,
        %parallel_loop3A_164 = vector.shape_cast %parallel_loop3A_163 : vector<1x16xf32> to vector<16xf32>
        %parallel_loop3A_165 = arith.constant 0 : i32
        %parallel_loop3A_166 = arith.addi %parallel_loop3A_160, %parallel_loop3A_165 : i32
        %parallel_loop3A_167 = arith.index_cast %parallel_loop3A_166 : i32 to index
        %parallel_loop3A_168 = tpu.vector_load %arg7[%parallel_loop3A_167] {strides = array<i32>} : memref<25600xf32, #tpu.memory_space<vmem>>, vector<16xf32>,
        %parallel_loop3A_169 = vector.shape_cast %parallel_loop3A_168 : vector<16xf32> to vector<16xf32>
        %parallel_loop3A_170 = arith.mulf %parallel_loop3A_164, %parallel_loop3A_169 : vector<16xf32>
        %parallel_loop3A_171 = arith.index_cast %parallel_loop3A_157 : i32 to index
        %parallel_loop3A_172 = arith.constant 0 : index
        %parallel_loop3A_173 = tpu.vector_load %arg9[%parallel_loop3A_171, %parallel_loop3A_172] {strides = array<i32>} : memref<128x128xf32, #tpu.memory_space<vmem>>, vector<1x16xf32>,
        %parallel_loop3A_174 = vector.shape_cast %parallel_loop3A_173 : vector<1x16xf32> to vector<16xf32>
        %parallel_loop3A_175 = vector.shape_cast %parallel_loop3A_170 : vector<16xf32> to vector<1x16xf32>
        tpu.vector_store %arg9[%parallel_loop3A_171, %parallel_loop3A_172], %parallel_loop3A_175 {strides = array<i32>} : memref<128x128xf32, #tpu.memory_space<vmem>>, vector<1x16xf32>,
        %parallel_loop3A_176 = arith.index_cast %parallel_loop3A_157 : i32 to index
        %parallel_loop3A_177 = arith.constant 16 : index
        %parallel_loop3A_178 = tpu.vector_load %arg9[%parallel_loop3A_176, %parallel_loop3A_177] {strides = array<i32>} : memref<128x128xf32, #tpu.memory_space<vmem>>, vector<1x16xf32>,
        %parallel_loop3A_179 = vector.shape_cast %parallel_loop3A_178 : vector<1x16xf32> to vector<16xf32>
        %parallel_loop3A_180 = arith.constant 16 : i32
        %parallel_loop3A_181 = arith.addi %parallel_loop3A_160, %parallel_loop3A_180 : i32
        %parallel_loop3A_182 = arith.index_cast %parallel_loop3A_181 : i32 to index
        %parallel_loop3A_183 = tpu.vector_load %arg7[%parallel_loop3A_182] {strides = array<i32>} : memref<25600xf32, #tpu.memory_space<vmem>>, vector<16xf32>,
        %parallel_loop3A_184 = vector.shape_cast %parallel_loop3A_183 : vector<16xf32> to vector<16xf32>
        %parallel_loop3A_185 = arith.mulf %parallel_loop3A_179, %parallel_loop3A_184 : vector<16xf32>
        %parallel_loop3A_186 = arith.index_cast %parallel_loop3A_157 : i32 to index
        %parallel_loop3A_187 = arith.constant 16 : index
        %parallel_loop3A_188 = tpu.vector_load %arg9[%parallel_loop3A_186, %parallel_loop3A_187] {strides = array<i32>} : memref<128x128xf32, #tpu.memory_space<vmem>>, vector<1x16xf32>,
        %parallel_loop3A_189 = vector.shape_cast %parallel_loop3A_188 : vector<1x16xf32> to vector<16xf32>
        %parallel_loop3A_190 = vector.shape_cast %parallel_loop3A_185 : vector<16xf32> to vector<1x16xf32>
        tpu.vector_store %arg9[%parallel_loop3A_186, %parallel_loop3A_187], %parallel_loop3A_190 {strides = array<i32>} : memref<128x128xf32, #tpu.memory_space<vmem>>, vector<1x16xf32>,
        %parallel_loop3A_191 = arith.index_cast %parallel_loop3A_157 : i32 to index
        %parallel_loop3A_192 = arith.constant 32 : index
        %parallel_loop3A_193 = tpu.vector_load %arg9[%parallel_loop3A_191, %parallel_loop3A_192] {strides = array<i32>} : memref<128x128xf32, #tpu.memory_space<vmem>>, vector<1x16xf32>,
        %parallel_loop3A_194 = vector.shape_cast %parallel_loop3A_193 : vector<1x16xf32> to vector<16xf32>
        %parallel_loop3A_195 = arith.constant 32 : i32
        %parallel_loop3A_196 = arith.addi %parallel_loop3A_160, %parallel_loop3A_195 : i32
        %parallel_loop3A_197 = arith.index_cast %parallel_loop3A_196 : i32 to index
        %parallel_loop3A_198 = tpu.vector_load %arg7[%parallel_loop3A_197] {strides = array<i32>} : memref<25600xf32, #tpu.memory_space<vmem>>, vector<16xf32>,
        %parallel_loop3A_199 = vector.shape_cast %parallel_loop3A_198 : vector<16xf32> to vector<16xf32>
        %parallel_loop3A_200 = arith.mulf %parallel_loop3A_194, %parallel_loop3A_199 : vector<16xf32>
        %parallel_loop3A_201 = arith.index_cast %parallel_loop3A_157 : i32 to index
        %parallel_loop3A_202 = arith.constant 32 : index
        %parallel_loop3A_203 = tpu.vector_load %arg9[%parallel_loop3A_201, %parallel_loop3A_202] {strides = array<i32>} : memref<128x128xf32, #tpu.memory_space<vmem>>, vector<1x16xf32>,
        %parallel_loop3A_204 = vector.shape_cast %parallel_loop3A_203 : vector<1x16xf32> to vector<16xf32>
        %parallel_loop3A_205 = vector.shape_cast %parallel_loop3A_200 : vector<16xf32> to vector<1x16xf32>
        tpu.vector_store %arg9[%parallel_loop3A_201, %parallel_loop3A_202], %parallel_loop3A_205 {strides = array<i32>} : memref<128x128xf32, #tpu.memory_space<vmem>>, vector<1x16xf32>,
        %parallel_loop3A_206 = arith.index_cast %parallel_loop3A_157 : i32 to index
        %parallel_loop3A_207 = arith.constant 48 : index
        %parallel_loop3A_208 = tpu.vector_load %arg9[%parallel_loop3A_206, %parallel_loop3A_207] {strides = array<i32>} : memref<128x128xf32, #tpu.memory_space<vmem>>, vector<1x16xf32>,
        %parallel_loop3A_209 = vector.shape_cast %parallel_loop3A_208 : vector<1x16xf32> to vector<16xf32>
        %parallel_loop3A_210 = arith.constant 48 : i32
        %parallel_loop3A_211 = arith.addi %parallel_loop3A_160, %parallel_loop3A_210 : i32
        %parallel_loop3A_212 = arith.index_cast %parallel_loop3A_211 : i32 to index
        %parallel_loop3A_213 = tpu.vector_load %arg7[%parallel_loop3A_212] {strides = array<i32>} : memref<25600xf32, #tpu.memory_space<vmem>>, vector<16xf32>,
        %parallel_loop3A_214 = vector.shape_cast %parallel_loop3A_213 : vector<16xf32> to vector<16xf32>
        %parallel_loop3A_215 = arith.mulf %parallel_loop3A_209, %parallel_loop3A_214 : vector<16xf32>
        %parallel_loop3A_216 = arith.index_cast %parallel_loop3A_157 : i32 to index
        %parallel_loop3A_217 = arith.constant 48 : index
        %parallel_loop3A_218 = tpu.vector_load %arg9[%parallel_loop3A_216, %parallel_loop3A_217] {strides = array<i32>} : memref<128x128xf32, #tpu.memory_space<vmem>>, vector<1x16xf32>,
        %parallel_loop3A_219 = vector.shape_cast %parallel_loop3A_218 : vector<1x16xf32> to vector<16xf32>
        %parallel_loop3A_220 = vector.shape_cast %parallel_loop3A_215 : vector<16xf32> to vector<1x16xf32>
        tpu.vector_store %arg9[%parallel_loop3A_216, %parallel_loop3A_217], %parallel_loop3A_220 {strides = array<i32>} : memref<128x128xf32, #tpu.memory_space<vmem>>, vector<1x16xf32>,
      } {sc.loop_unroll_factor = 4 : i64, sc.parallel_access}
      %mul3A_81 = arith.constant 128 : i32
      %mul3A_82 = arith.muli %add3A_67, %mul3A_81 : i32
      %add3A_83 = arith.addi %mul3A_2, %mul3A_82 : i32
      %dma_start3A_84 = arith.constant 0 : i32
      %dma_start3A_85 = tpu.memref_slice %arg5[%add3A_83, %dma_start3A_84] : memref<819200x128xf32, #tpu.memory_space<hbm>> -> memref<128x128xf32, #tpu.memory_space<hbm>>
      %dma_start3A_86 = arith.constant 0 : i32
      %dma_start3A_87 = tpu.memref_slice %arg5[%add3A_83, %dma_start3A_86] : memref<819200x128xf32, #tpu.memory_space<hbm>> -> memref<128x128xf32, #tpu.memory_space<hbm>>
      tpu.enqueue_dma source(%arg9 : memref<128x128xf32, #tpu.memory_space<vmem>>) target(%dma_start3A_87 : memref<128x128xf32, #tpu.memory_space<hbm>>) target_semaphore(%arg17 : memref<!tpu.dma_semaphore, #tpu.memory_space<semaphore_mem>>)
      %add3A_88 = arith.constant 3 : i32
      %add3A_89 = arith.addi %add3A_67, %add3A_88 : i32
      %lt3A_90 = arith.constant 200 : i32
      %lt3A_91 = arith.cmpi slt, %add3A_89, %lt3A_90 : i32
      %convert_element_type3A_92 = arith.extui %lt3A_91 : i1 to i32
      %cond3A_93 = arith.constant 0 : i32
      %cond3A_94 = arith.cmpi ne, %convert_element_type3A_92, %cond3A_93 : i32
      scf.if %cond3A_94 {
        %ge3A = arith.constant 1 : i32
        %ge3A_157 = arith.cmpi sge, %add3A_67, %ge3A : i32
        %convert_element_type3A_158 = arith.extui %ge3A_157 : i1 to i32
        %cond3A_159 = arith.constant 0 : i32
        %cond3A_160 = arith.cmpi ne, %convert_element_type3A_158, %cond3A_159 : i32
        scf.if %cond3A_160 {
          %dma_wait3A_167 = arith.constant 0 : i32
          %dma_wait3A_168 = tpu.memref_slice %arg5[%mul3A_2, %dma_wait3A_167] : memref<819200x128xf32, #tpu.memory_space<hbm>> -> memref<128x128xf32, #tpu.memory_space<hbm>>
          %dma_wait3A_169 = arith.constant 0 : i32
          %dma_wait3A_170 = tpu.memref_slice %arg5[%mul3A_2, %dma_wait3A_169] : memref<819200x128xf32, #tpu.memory_space<hbm>> -> memref<128x128xf32, #tpu.memory_space<hbm>>
          tpu.wait_dma2 semaphore(%arg16 : memref<!tpu.dma_semaphore, #tpu.memory_space<semaphore_mem>>) src(%arg8 : memref<128x128xf32, #tpu.memory_space<vmem>>) dst(%dma_wait3A_170 : memref<128x128xf32, #tpu.memory_space<hbm>>)
        } else {
        }
        %mul3A_161 = arith.constant 128 : i32
        %mul3A_162 = arith.muli %add3A_89, %mul3A_161 : i32
        %dma_start3A_163 = tpu.memref_slice %arg6[%mul3A_162] : memref<25600xi32, #tpu.memory_space<vmem>> -> memref<128xi32, #tpu.memory_space<vmem>>
        %dma_start3A_164 = arith.constant 0 : i32
        %dma_start3A_165 = arith.constant 0 : i32
        %dma_start3A_166 = tpu.memref_slice %arg3[%dma_start3A_164, %dma_start3A_165] : memref<1000000x128xf32, #tpu.memory_space<hbm>> -> memref<1000000x128xf32, #tpu.memory_space<hbm>>
        tpu.enqueue_indirect_dma source(%dma_start3A_166 : memref<1000000x128xf32, #tpu.memory_space<hbm>>) target(%arg8 : memref<128x128xf32, #tpu.memory_space<vmem>>) offsets(%dma_start3A_163 : memref<128xi32, #tpu.memory_space<vmem>>) semaphore(%arg12 : memref<!tpu.dma_semaphore, #tpu.memory_space<semaphore_mem>>)
      } else {
      }
      %mul3A_95 = arith.constant 4 : i32
      %mul3A_96 = arith.muli %scan3A_37, %mul3A_95 : i32
      %add3A_97 = arith.constant 2 : i32
      %add3A_98 = arith.addi %mul3A_96, %add3A_97 : i32
      %mul3A_99 = arith.constant 128 : i32
      %mul3A_100 = arith.muli %add3A_98, %mul3A_99 : i32
      %dma_wait3A_101 = tpu.memref_slice %arg6[%mul3A_100] : memref<25600xi32, #tpu.memory_space<vmem>> -> memref<128xi32, #tpu.memory_space<vmem>>
      %dma_wait3A_102 = arith.constant 0 : i32
      %dma_wait3A_103 = arith.constant 0 : i32
      %dma_wait3A_104 = tpu.memref_slice %arg3[%dma_wait3A_102, %dma_wait3A_103] : memref<1000000x128xf32, #tpu.memory_space<hbm>> -> memref<1000000x128xf32, #tpu.memory_space<hbm>>
      tpu.wait_indirect_dma semaphore(%arg14 : memref<!tpu.dma_semaphore, #tpu.memory_space<semaphore_mem>>) src(%dma_wait3A_104 : memref<1000000x128xf32, #tpu.memory_space<hbm>>) dst(%arg10 : memref<128x128xf32, #tpu.memory_space<vmem>>)
      %mul3A_105 = arith.constant 128 : i32
      %mul3A_106 = arith.muli %add3A_98, %mul3A_105 : i32
      %rem3A_107 = arith.constant 200 : i32
      %rem3A_108 = arith.remsi %mul3A_106, %rem3A_107 : i32
      %parallel_loop3A_109 = arith.constant 0 : i32
      %parallel_loop3A_110 = arith.constant 128 : i32
      %parallel_loop3A_111 = arith.constant 1 : i32
      scf.for %parallel_loop3A_157 = %parallel_loop3A_109 to %parallel_loop3A_110 step %parallel_loop3A_111  : i32 {
        %parallel_loop3A_158 = arith.addi %rem3A_108, %parallel_loop3A_157 : i32
        %parallel_loop3A_159 = arith.constant 64 : i32
        %parallel_loop3A_160 = arith.muli %parallel_loop3A_158, %parallel_loop3A_159 : i32
        %parallel_loop3A_161 = arith.index_cast %parallel_loop3A_157 : i32 to index
        %parallel_loop3A_162 = arith.constant 0 : index
        %parallel_loop3A_163 = tpu.vector_load %arg10[%parallel_loop3A_161, %parallel_loop3A_162] {strides = array<i32>} : memref<128x128xf32, #tpu.memory_space<vmem>>, vector<1x16xf32>,
        %parallel_loop3A_164 = vector.shape_cast %parallel_loop3A_163 : vector<1x16xf32> to vector<16xf32>
        %parallel_loop3A_165 = arith.constant 0 : i32
        %parallel_loop3A_166 = arith.addi %parallel_loop3A_160, %parallel_loop3A_165 : i32
        %parallel_loop3A_167 = arith.index_cast %parallel_loop3A_166 : i32 to index
        %parallel_loop3A_168 = tpu.vector_load %arg7[%parallel_loop3A_167] {strides = array<i32>} : memref<25600xf32, #tpu.memory_space<vmem>>, vector<16xf32>,
        %parallel_loop3A_169 = vector.shape_cast %parallel_loop3A_168 : vector<16xf32> to vector<16xf32>
        %parallel_loop3A_170 = arith.mulf %parallel_loop3A_164, %parallel_loop3A_169 : vector<16xf32>
        %parallel_loop3A_171 = arith.index_cast %parallel_loop3A_157 : i32 to index
        %parallel_loop3A_172 = arith.constant 0 : index
        %parallel_loop3A_173 = tpu.vector_load %arg10[%parallel_loop3A_171, %parallel_loop3A_172] {strides = array<i32>} : memref<128x128xf32, #tpu.memory_space<vmem>>, vector<1x16xf32>,
        %parallel_loop3A_174 = vector.shape_cast %parallel_loop3A_173 : vector<1x16xf32> to vector<16xf32>
        %parallel_loop3A_175 = vector.shape_cast %parallel_loop3A_170 : vector<16xf32> to vector<1x16xf32>
        tpu.vector_store %arg10[%parallel_loop3A_171, %parallel_loop3A_172], %parallel_loop3A_175 {strides = array<i32>} : memref<128x128xf32, #tpu.memory_space<vmem>>, vector<1x16xf32>,
        %parallel_loop3A_176 = arith.index_cast %parallel_loop3A_157 : i32 to index
        %parallel_loop3A_177 = arith.constant 16 : index
        %parallel_loop3A_178 = tpu.vector_load %arg10[%parallel_loop3A_176, %parallel_loop3A_177] {strides = array<i32>} : memref<128x128xf32, #tpu.memory_space<vmem>>, vector<1x16xf32>,
        %parallel_loop3A_179 = vector.shape_cast %parallel_loop3A_178 : vector<1x16xf32> to vector<16xf32>
        %parallel_loop3A_180 = arith.constant 16 : i32
        %parallel_loop3A_181 = arith.addi %parallel_loop3A_160, %parallel_loop3A_180 : i32
        %parallel_loop3A_182 = arith.index_cast %parallel_loop3A_181 : i32 to index
        %parallel_loop3A_183 = tpu.vector_load %arg7[%parallel_loop3A_182] {strides = array<i32>} : memref<25600xf32, #tpu.memory_space<vmem>>, vector<16xf32>,
        %parallel_loop3A_184 = vector.shape_cast %parallel_loop3A_183 : vector<16xf32> to vector<16xf32>
        %parallel_loop3A_185 = arith.mulf %parallel_loop3A_179, %parallel_loop3A_184 : vector<16xf32>
        %parallel_loop3A_186 = arith.index_cast %parallel_loop3A_157 : i32 to index
        %parallel_loop3A_187 = arith.constant 16 : index
        %parallel_loop3A_188 = tpu.vector_load %arg10[%parallel_loop3A_186, %parallel_loop3A_187] {strides = array<i32>} : memref<128x128xf32, #tpu.memory_space<vmem>>, vector<1x16xf32>,
        %parallel_loop3A_189 = vector.shape_cast %parallel_loop3A_188 : vector<1x16xf32> to vector<16xf32>
        %parallel_loop3A_190 = vector.shape_cast %parallel_loop3A_185 : vector<16xf32> to vector<1x16xf32>
        tpu.vector_store %arg10[%parallel_loop3A_186, %parallel_loop3A_187], %parallel_loop3A_190 {strides = array<i32>} : memref<128x128xf32, #tpu.memory_space<vmem>>, vector<1x16xf32>,
        %parallel_loop3A_191 = arith.index_cast %parallel_loop3A_157 : i32 to index
        %parallel_loop3A_192 = arith.constant 32 : index
        %parallel_loop3A_193 = tpu.vector_load %arg10[%parallel_loop3A_191, %parallel_loop3A_192] {strides = array<i32>} : memref<128x128xf32, #tpu.memory_space<vmem>>, vector<1x16xf32>,
        %parallel_loop3A_194 = vector.shape_cast %parallel_loop3A_193 : vector<1x16xf32> to vector<16xf32>
        %parallel_loop3A_195 = arith.constant 32 : i32
        %parallel_loop3A_196 = arith.addi %parallel_loop3A_160, %parallel_loop3A_195 : i32
        %parallel_loop3A_197 = arith.index_cast %parallel_loop3A_196 : i32 to index
        %parallel_loop3A_198 = tpu.vector_load %arg7[%parallel_loop3A_197] {strides = array<i32>} : memref<25600xf32, #tpu.memory_space<vmem>>, vector<16xf32>,
        %parallel_loop3A_199 = vector.shape_cast %parallel_loop3A_198 : vector<16xf32> to vector<16xf32>
        %parallel_loop3A_200 = arith.mulf %parallel_loop3A_194, %parallel_loop3A_199 : vector<16xf32>
        %parallel_loop3A_201 = arith.index_cast %parallel_loop3A_157 : i32 to index
        %parallel_loop3A_202 = arith.constant 32 : index
        %parallel_loop3A_203 = tpu.vector_load %arg10[%parallel_loop3A_201, %parallel_loop3A_202] {strides = array<i32>} : memref<128x128xf32, #tpu.memory_space<vmem>>, vector<1x16xf32>,
        %parallel_loop3A_204 = vector.shape_cast %parallel_loop3A_203 : vector<1x16xf32> to vector<16xf32>
        %parallel_loop3A_205 = vector.shape_cast %parallel_loop3A_200 : vector<16xf32> to vector<1x16xf32>
        tpu.vector_store %arg10[%parallel_loop3A_201, %parallel_loop3A_202], %parallel_loop3A_205 {strides = array<i32>} : memref<128x128xf32, #tpu.memory_space<vmem>>, vector<1x16xf32>,
        %parallel_loop3A_206 = arith.index_cast %parallel_loop3A_157 : i32 to index
        %parallel_loop3A_207 = arith.constant 48 : index
        %parallel_loop3A_208 = tpu.vector_load %arg10[%parallel_loop3A_206, %parallel_loop3A_207] {strides = array<i32>} : memref<128x128xf32, #tpu.memory_space<vmem>>, vector<1x16xf32>,
        %parallel_loop3A_209 = vector.shape_cast %parallel_loop3A_208 : vector<1x16xf32> to vector<16xf32>
        %parallel_loop3A_210 = arith.constant 48 : i32
        %parallel_loop3A_211 = arith.addi %parallel_loop3A_160, %parallel_loop3A_210 : i32
        %parallel_loop3A_212 = arith.index_cast %parallel_loop3A_211 : i32 to index
        %parallel_loop3A_213 = tpu.vector_load %arg7[%parallel_loop3A_212] {strides = array<i32>} : memref<25600xf32, #tpu.memory_space<vmem>>, vector<16xf32>,
        %parallel_loop3A_214 = vector.shape_cast %parallel_loop3A_213 : vector<16xf32> to vector<16xf32>
        %parallel_loop3A_215 = arith.mulf %parallel_loop3A_209, %parallel_loop3A_214 : vector<16xf32>
        %parallel_loop3A_216 = arith.index_cast %parallel_loop3A_157 : i32 to index
        %parallel_loop3A_217 = arith.constant 48 : index
        %parallel_loop3A_218 = tpu.vector_load %arg10[%parallel_loop3A_216, %parallel_loop3A_217] {strides = array<i32>} : memref<128x128xf32, #tpu.memory_space<vmem>>, vector<1x16xf32>,
        %parallel_loop3A_219 = vector.shape_cast %parallel_loop3A_218 : vector<1x16xf32> to vector<16xf32>
        %parallel_loop3A_220 = vector.shape_cast %parallel_loop3A_215 : vector<16xf32> to vector<1x16xf32>
        tpu.vector_store %arg10[%parallel_loop3A_216, %parallel_loop3A_217], %parallel_loop3A_220 {strides = array<i32>} : memref<128x128xf32, #tpu.memory_space<vmem>>, vector<1x16xf32>,
      } {sc.loop_unroll_factor = 4 : i64, sc.parallel_access}
      %mul3A_112 = arith.constant 128 : i32
      %mul3A_113 = arith.muli %add3A_98, %mul3A_112 : i32
      %add3A_114 = arith.addi %mul3A_2, %mul3A_113 : i32
      %dma_start3A_115 = arith.constant 0 : i32
      %dma_start3A_116 = tpu.memref_slice %arg5[%add3A_114, %dma_start3A_115] : memref<819200x128xf32, #tpu.memory_space<hbm>> -> memref<128x128xf32, #tpu.memory_space<hbm>>
      %dma_start3A_117 = arith.constant 0 : i32
      %dma_start3A_118 = tpu.memref_slice %arg5[%add3A_114, %dma_start3A_117] : memref<819200x128xf32, #tpu.memory_space<hbm>> -> memref<128x128xf32, #tpu.memory_space<hbm>>
      tpu.enqueue_dma source(%arg10 : memref<128x128xf32, #tpu.memory_space<vmem>>) target(%dma_start3A_118 : memref<128x128xf32, #tpu.memory_space<hbm>>) target_semaphore(%arg18 : memref<!tpu.dma_semaphore, #tpu.memory_space<semaphore_mem>>)
      %add3A_119 = arith.constant 3 : i32
      %add3A_120 = arith.addi %add3A_98, %add3A_119 : i32
      %lt3A_121 = arith.constant 200 : i32
      %lt3A_122 = arith.cmpi slt, %add3A_120, %lt3A_121 : i32
      %convert_element_type3A_123 = arith.extui %lt3A_122 : i1 to i32
      %cond3A_124 = arith.constant 0 : i32
      %cond3A_125 = arith.cmpi ne, %convert_element_type3A_123, %cond3A_124 : i32
      scf.if %cond3A_125 {
        %ge3A = arith.constant 1 : i32
        %ge3A_157 = arith.cmpi sge, %add3A_98, %ge3A : i32
        %convert_element_type3A_158 = arith.extui %ge3A_157 : i1 to i32
        %cond3A_159 = arith.constant 0 : i32
        %cond3A_160 = arith.cmpi ne, %convert_element_type3A_158, %cond3A_159 : i32
        scf.if %cond3A_160 {
          %dma_wait3A_167 = arith.constant 0 : i32
          %dma_wait3A_168 = tpu.memref_slice %arg5[%mul3A_2, %dma_wait3A_167] : memref<819200x128xf32, #tpu.memory_space<hbm>> -> memref<128x128xf32, #tpu.memory_space<hbm>>
          %dma_wait3A_169 = arith.constant 0 : i32
          %dma_wait3A_170 = tpu.memref_slice %arg5[%mul3A_2, %dma_wait3A_169] : memref<819200x128xf32, #tpu.memory_space<hbm>> -> memref<128x128xf32, #tpu.memory_space<hbm>>
          tpu.wait_dma2 semaphore(%arg17 : memref<!tpu.dma_semaphore, #tpu.memory_space<semaphore_mem>>) src(%arg9 : memref<128x128xf32, #tpu.memory_space<vmem>>) dst(%dma_wait3A_170 : memref<128x128xf32, #tpu.memory_space<hbm>>)
        } else {
        }
        %mul3A_161 = arith.constant 128 : i32
        %mul3A_162 = arith.muli %add3A_120, %mul3A_161 : i32
        %dma_start3A_163 = tpu.memref_slice %arg6[%mul3A_162] : memref<25600xi32, #tpu.memory_space<vmem>> -> memref<128xi32, #tpu.memory_space<vmem>>
        %dma_start3A_164 = arith.constant 0 : i32
        %dma_start3A_165 = arith.constant 0 : i32
        %dma_start3A_166 = tpu.memref_slice %arg3[%dma_start3A_164, %dma_start3A_165] : memref<1000000x128xf32, #tpu.memory_space<hbm>> -> memref<1000000x128xf32, #tpu.memory_space<hbm>>
        tpu.enqueue_indirect_dma source(%dma_start3A_166 : memref<1000000x128xf32, #tpu.memory_space<hbm>>) target(%arg9 : memref<128x128xf32, #tpu.memory_space<vmem>>) offsets(%dma_start3A_163 : memref<128xi32, #tpu.memory_space<vmem>>) semaphore(%arg13 : memref<!tpu.dma_semaphore, #tpu.memory_space<semaphore_mem>>)
      } else {
      }
      %mul3A_126 = arith.constant 4 : i32
      %mul3A_127 = arith.muli %scan3A_37, %mul3A_126 : i32
      %add3A_128 = arith.constant 3 : i32
      %add3A_129 = arith.addi %mul3A_127, %add3A_128 : i32
      %mul3A_130 = arith.constant 128 : i32
      %mul3A_131 = arith.muli %add3A_129, %mul3A_130 : i32
      %dma_wait3A_132 = tpu.memref_slice %arg6[%mul3A_131] : memref<25600xi32, #tpu.memory_space<vmem>> -> memref<128xi32, #tpu.memory_space<vmem>>
      %dma_wait3A_133 = arith.constant 0 : i32
      %dma_wait3A_134 = arith.constant 0 : i32
      %dma_wait3A_135 = tpu.memref_slice %arg3[%dma_wait3A_133, %dma_wait3A_134] : memref<1000000x128xf32, #tpu.memory_space<hbm>> -> memref<1000000x128xf32, #tpu.memory_space<hbm>>
      tpu.wait_indirect_dma semaphore(%arg15 : memref<!tpu.dma_semaphore, #tpu.memory_space<semaphore_mem>>) src(%dma_wait3A_135 : memref<1000000x128xf32, #tpu.memory_space<hbm>>) dst(%arg11 : memref<128x128xf32, #tpu.memory_space<vmem>>)
      %mul3A_136 = arith.constant 128 : i32
      %mul3A_137 = arith.muli %add3A_129, %mul3A_136 : i32
      %rem3A_138 = arith.constant 200 : i32
      %rem3A_139 = arith.remsi %mul3A_137, %rem3A_138 : i32
      %parallel_loop3A_140 = arith.constant 0 : i32
      %parallel_loop3A_141 = arith.constant 128 : i32
      %parallel_loop3A_142 = arith.constant 1 : i32
      scf.for %parallel_loop3A_157 = %parallel_loop3A_140 to %parallel_loop3A_141 step %parallel_loop3A_142  : i32 {
        %parallel_loop3A_158 = arith.addi %rem3A_139, %parallel_loop3A_157 : i32
        %parallel_loop3A_159 = arith.constant 64 : i32
        %parallel_loop3A_160 = arith.muli %parallel_loop3A_158, %parallel_loop3A_159 : i32
        %parallel_loop3A_161 = arith.index_cast %parallel_loop3A_157 : i32 to index
        %parallel_loop3A_162 = arith.constant 0 : index
        %parallel_loop3A_163 = tpu.vector_load %arg11[%parallel_loop3A_161, %parallel_loop3A_162] {strides = array<i32>} : memref<128x128xf32, #tpu.memory_space<vmem>>, vector<1x16xf32>,
        %parallel_loop3A_164 = vector.shape_cast %parallel_loop3A_163 : vector<1x16xf32> to vector<16xf32>
        %parallel_loop3A_165 = arith.constant 0 : i32
        %parallel_loop3A_166 = arith.addi %parallel_loop3A_160, %parallel_loop3A_165 : i32
        %parallel_loop3A_167 = arith.index_cast %parallel_loop3A_166 : i32 to index
        %parallel_loop3A_168 = tpu.vector_load %arg7[%parallel_loop3A_167] {strides = array<i32>} : memref<25600xf32, #tpu.memory_space<vmem>>, vector<16xf32>,
        %parallel_loop3A_169 = vector.shape_cast %parallel_loop3A_168 : vector<16xf32> to vector<16xf32>
        %parallel_loop3A_170 = arith.mulf %parallel_loop3A_164, %parallel_loop3A_169 : vector<16xf32>
        %parallel_loop3A_171 = arith.index_cast %parallel_loop3A_157 : i32 to index
        %parallel_loop3A_172 = arith.constant 0 : index
        %parallel_loop3A_173 = tpu.vector_load %arg11[%parallel_loop3A_171, %parallel_loop3A_172] {strides = array<i32>} : memref<128x128xf32, #tpu.memory_space<vmem>>, vector<1x16xf32>,
        %parallel_loop3A_174 = vector.shape_cast %parallel_loop3A_173 : vector<1x16xf32> to vector<16xf32>
        %parallel_loop3A_175 = vector.shape_cast %parallel_loop3A_170 : vector<16xf32> to vector<1x16xf32>
        tpu.vector_store %arg11[%parallel_loop3A_171, %parallel_loop3A_172], %parallel_loop3A_175 {strides = array<i32>} : memref<128x128xf32, #tpu.memory_space<vmem>>, vector<1x16xf32>,
        %parallel_loop3A_176 = arith.index_cast %parallel_loop3A_157 : i32 to index
        %parallel_loop3A_177 = arith.constant 16 : index
        %parallel_loop3A_178 = tpu.vector_load %arg11[%parallel_loop3A_176, %parallel_loop3A_177] {strides = array<i32>} : memref<128x128xf32, #tpu.memory_space<vmem>>, vector<1x16xf32>,
        %parallel_loop3A_179 = vector.shape_cast %parallel_loop3A_178 : vector<1x16xf32> to vector<16xf32>
        %parallel_loop3A_180 = arith.constant 16 : i32
        %parallel_loop3A_181 = arith.addi %parallel_loop3A_160, %parallel_loop3A_180 : i32
        %parallel_loop3A_182 = arith.index_cast %parallel_loop3A_181 : i32 to index
        %parallel_loop3A_183 = tpu.vector_load %arg7[%parallel_loop3A_182] {strides = array<i32>} : memref<25600xf32, #tpu.memory_space<vmem>>, vector<16xf32>,
        %parallel_loop3A_184 = vector.shape_cast %parallel_loop3A_183 : vector<16xf32> to vector<16xf32>
        %parallel_loop3A_185 = arith.mulf %parallel_loop3A_179, %parallel_loop3A_184 : vector<16xf32>
        %parallel_loop3A_186 = arith.index_cast %parallel_loop3A_157 : i32 to index
        %parallel_loop3A_187 = arith.constant 16 : index
        %parallel_loop3A_188 = tpu.vector_load %arg11[%parallel_loop3A_186, %parallel_loop3A_187] {strides = array<i32>} : memref<128x128xf32, #tpu.memory_space<vmem>>, vector<1x16xf32>,
        %parallel_loop3A_189 = vector.shape_cast %parallel_loop3A_188 : vector<1x16xf32> to vector<16xf32>
        %parallel_loop3A_190 = vector.shape_cast %parallel_loop3A_185 : vector<16xf32> to vector<1x16xf32>
        tpu.vector_store %arg11[%parallel_loop3A_186, %parallel_loop3A_187], %parallel_loop3A_190 {strides = array<i32>} : memref<128x128xf32, #tpu.memory_space<vmem>>, vector<1x16xf32>,
        %parallel_loop3A_191 = arith.index_cast %parallel_loop3A_157 : i32 to index
        %parallel_loop3A_192 = arith.constant 32 : index
        %parallel_loop3A_193 = tpu.vector_load %arg11[%parallel_loop3A_191, %parallel_loop3A_192] {strides = array<i32>} : memref<128x128xf32, #tpu.memory_space<vmem>>, vector<1x16xf32>,
        %parallel_loop3A_194 = vector.shape_cast %parallel_loop3A_193 : vector<1x16xf32> to vector<16xf32>
        %parallel_loop3A_195 = arith.constant 32 : i32
        %parallel_loop3A_196 = arith.addi %parallel_loop3A_160, %parallel_loop3A_195 : i32
        %parallel_loop3A_197 = arith.index_cast %parallel_loop3A_196 : i32 to index
        %parallel_loop3A_198 = tpu.vector_load %arg7[%parallel_loop3A_197] {strides = array<i32>} : memref<25600xf32, #tpu.memory_space<vmem>>, vector<16xf32>,
        %parallel_loop3A_199 = vector.shape_cast %parallel_loop3A_198 : vector<16xf32> to vector<16xf32>
        %parallel_loop3A_200 = arith.mulf %parallel_loop3A_194, %parallel_loop3A_199 : vector<16xf32>
        %parallel_loop3A_201 = arith.index_cast %parallel_loop3A_157 : i32 to index
        %parallel_loop3A_202 = arith.constant 32 : index
        %parallel_loop3A_203 = tpu.vector_load %arg11[%parallel_loop3A_201, %parallel_loop3A_202] {strides = array<i32>} : memref<128x128xf32, #tpu.memory_space<vmem>>, vector<1x16xf32>,
        %parallel_loop3A_204 = vector.shape_cast %parallel_loop3A_203 : vector<1x16xf32> to vector<16xf32>
        %parallel_loop3A_205 = vector.shape_cast %parallel_loop3A_200 : vector<16xf32> to vector<1x16xf32>
        tpu.vector_store %arg11[%parallel_loop3A_201, %parallel_loop3A_202], %parallel_loop3A_205 {strides = array<i32>} : memref<128x128xf32, #tpu.memory_space<vmem>>, vector<1x16xf32>,
        %parallel_loop3A_206 = arith.index_cast %parallel_loop3A_157 : i32 to index
        %parallel_loop3A_207 = arith.constant 48 : index
        %parallel_loop3A_208 = tpu.vector_load %arg11[%parallel_loop3A_206, %parallel_loop3A_207] {strides = array<i32>} : memref<128x128xf32, #tpu.memory_space<vmem>>, vector<1x16xf32>,
        %parallel_loop3A_209 = vector.shape_cast %parallel_loop3A_208 : vector<1x16xf32> to vector<16xf32>
        %parallel_loop3A_210 = arith.constant 48 : i32
        %parallel_loop3A_211 = arith.addi %parallel_loop3A_160, %parallel_loop3A_210 : i32
        %parallel_loop3A_212 = arith.index_cast %parallel_loop3A_211 : i32 to index
        %parallel_loop3A_213 = tpu.vector_load %arg7[%parallel_loop3A_212] {strides = array<i32>} : memref<25600xf32, #tpu.memory_space<vmem>>, vector<16xf32>,
        %parallel_loop3A_214 = vector.shape_cast %parallel_loop3A_213 : vector<16xf32> to vector<16xf32>
        %parallel_loop3A_215 = arith.mulf %parallel_loop3A_209, %parallel_loop3A_214 : vector<16xf32>
        %parallel_loop3A_216 = arith.index_cast %parallel_loop3A_157 : i32 to index
        %parallel_loop3A_217 = arith.constant 48 : index
        %parallel_loop3A_218 = tpu.vector_load %arg11[%parallel_loop3A_216, %parallel_loop3A_217] {strides = array<i32>} : memref<128x128xf32, #tpu.memory_space<vmem>>, vector<1x16xf32>,
        %parallel_loop3A_219 = vector.shape_cast %parallel_loop3A_218 : vector<1x16xf32> to vector<16xf32>
        %parallel_loop3A_220 = vector.shape_cast %parallel_loop3A_215 : vector<16xf32> to vector<1x16xf32>
        tpu.vector_store %arg11[%parallel_loop3A_216, %parallel_loop3A_217], %parallel_loop3A_220 {strides = array<i32>} : memref<128x128xf32, #tpu.memory_space<vmem>>, vector<1x16xf32>,
      } {sc.loop_unroll_factor = 4 : i64, sc.parallel_access}
      %mul3A_143 = arith.constant 128 : i32
      %mul3A_144 = arith.muli %add3A_129, %mul3A_143 : i32
      %add3A_145 = arith.addi %mul3A_2, %mul3A_144 : i32
      %dma_start3A_146 = arith.constant 0 : i32
      %dma_start3A_147 = tpu.memref_slice %arg5[%add3A_145, %dma_start3A_146] : memref<819200x128xf32, #tpu.memory_space<hbm>> -> memref<128x128xf32, #tpu.memory_space<hbm>>
      %dma_start3A_148 = arith.constant 0 : i32
      %dma_start3A_149 = tpu.memref_slice %arg5[%add3A_145, %dma_start3A_148] : memref<819200x128xf32, #tpu.memory_space<hbm>> -> memref<128x128xf32, #tpu.memory_space<hbm>>
      tpu.enqueue_dma source(%arg11 : memref<128x128xf32, #tpu.memory_space<vmem>>) target(%dma_start3A_149 : memref<128x128xf32, #tpu.memory_space<hbm>>) target_semaphore(%arg19 : memref<!tpu.dma_semaphore, #tpu.memory_space<semaphore_mem>>)
      %add3A_150 = arith.constant 3 : i32
      %add3A_151 = arith.addi %add3A_129, %add3A_150 : i32
      %lt3A_152 = arith.constant 200 : i32
      %lt3A_153 = arith.cmpi slt, %add3A_151, %lt3A_152 : i32
      %convert_element_type3A_154 = arith.extui %lt3A_153 : i1 to i32
      %cond3A_155 = arith.constant 0 : i32
      %cond3A_156 = arith.cmpi ne, %convert_element_type3A_154, %cond3A_155 : i32
      scf.if %cond3A_156 {
        %ge3A = arith.constant 1 : i32
        %ge3A_157 = arith.cmpi sge, %add3A_129, %ge3A : i32
        %convert_element_type3A_158 = arith.extui %ge3A_157 : i1 to i32
        %cond3A_159 = arith.constant 0 : i32
        %cond3A_160 = arith.cmpi ne, %convert_element_type3A_158, %cond3A_159 : i32
        scf.if %cond3A_160 {
          %dma_wait3A_167 = arith.constant 0 : i32
          %dma_wait3A_168 = tpu.memref_slice %arg5[%mul3A_2, %dma_wait3A_167] : memref<819200x128xf32, #tpu.memory_space<hbm>> -> memref<128x128xf32, #tpu.memory_space<hbm>>
          %dma_wait3A_169 = arith.constant 0 : i32
          %dma_wait3A_170 = tpu.memref_slice %arg5[%mul3A_2, %dma_wait3A_169] : memref<819200x128xf32, #tpu.memory_space<hbm>> -> memref<128x128xf32, #tpu.memory_space<hbm>>
          tpu.wait_dma2 semaphore(%arg18 : memref<!tpu.dma_semaphore, #tpu.memory_space<semaphore_mem>>) src(%arg10 : memref<128x128xf32, #tpu.memory_space<vmem>>) dst(%dma_wait3A_170 : memref<128x128xf32, #tpu.memory_space<hbm>>)
        } else {
        }
        %mul3A_161 = arith.constant 128 : i32
        %mul3A_162 = arith.muli %add3A_151, %mul3A_161 : i32
        %dma_start3A_163 = tpu.memref_slice %arg6[%mul3A_162] : memref<25600xi32, #tpu.memory_space<vmem>> -> memref<128xi32, #tpu.memory_space<vmem>>
        %dma_start3A_164 = arith.constant 0 : i32
        %dma_start3A_165 = arith.constant 0 : i32
        %dma_start3A_166 = tpu.memref_slice %arg3[%dma_start3A_164, %dma_start3A_165] : memref<1000000x128xf32, #tpu.memory_space<hbm>> -> memref<1000000x128xf32, #tpu.memory_space<hbm>>
        tpu.enqueue_indirect_dma source(%dma_start3A_166 : memref<1000000x128xf32, #tpu.memory_space<hbm>>) target(%arg10 : memref<128x128xf32, #tpu.memory_space<vmem>>) offsets(%dma_start3A_163 : memref<128xi32, #tpu.memory_space<vmem>>) semaphore(%arg14 : memref<!tpu.dma_semaphore, #tpu.memory_space<semaphore_mem>>)
      } else {
      }
    }
    %scan3A_21 = arith.constant 50 : i32
    %dma_wait3A = arith.constant 0 : i32
    %dma_wait3A_22 = tpu.memref_slice %arg5[%mul3A_2, %dma_wait3A] : memref<819200x128xf32, #tpu.memory_space<hbm>> -> memref<128x128xf32, #tpu.memory_space<hbm>>
    %dma_wait3A_23 = arith.constant 0 : i32
    %dma_wait3A_24 = tpu.memref_slice %arg5[%mul3A_2, %dma_wait3A_23] : memref<819200x128xf32, #tpu.memory_space<hbm>> -> memref<128x128xf32, #tpu.memory_space<hbm>>
    tpu.wait_dma2 semaphore(%arg16 : memref<!tpu.dma_semaphore, #tpu.memory_space<semaphore_mem>>) src(%arg8 : memref<128x128xf32, #tpu.memory_space<vmem>>) dst(%dma_wait3A_24 : memref<128x128xf32, #tpu.memory_space<hbm>>)
    %dma_wait3A_25 = arith.constant 0 : i32
    %dma_wait3A_26 = tpu.memref_slice %arg5[%mul3A_2, %dma_wait3A_25] : memref<819200x128xf32, #tpu.memory_space<hbm>> -> memref<128x128xf32, #tpu.memory_space<hbm>>
    %dma_wait3A_27 = arith.constant 0 : i32
    %dma_wait3A_28 = tpu.memref_slice %arg5[%mul3A_2, %dma_wait3A_27] : memref<819200x128xf32, #tpu.memory_space<hbm>> -> memref<128x128xf32, #tpu.memory_space<hbm>>
    tpu.wait_dma2 semaphore(%arg17 : memref<!tpu.dma_semaphore, #tpu.memory_space<semaphore_mem>>) src(%arg9 : memref<128x128xf32, #tpu.memory_space<vmem>>) dst(%dma_wait3A_28 : memref<128x128xf32, #tpu.memory_space<hbm>>)
    %dma_wait3A_29 = arith.constant 0 : i32
    %dma_wait3A_30 = tpu.memref_slice %arg5[%mul3A_2, %dma_wait3A_29] : memref<819200x128xf32, #tpu.memory_space<hbm>> -> memref<128x128xf32, #tpu.memory_space<hbm>>
    %dma_wait3A_31 = arith.constant 0 : i32
    %dma_wait3A_32 = tpu.memref_slice %arg5[%mul3A_2, %dma_wait3A_31] : memref<819200x128xf32, #tpu.memory_space<hbm>> -> memref<128x128xf32, #tpu.memory_space<hbm>>
    tpu.wait_dma2 semaphore(%arg18 : memref<!tpu.dma_semaphore, #tpu.memory_space<semaphore_mem>>) src(%arg10 : memref<128x128xf32, #tpu.memory_space<vmem>>) dst(%dma_wait3A_32 : memref<128x128xf32, #tpu.memory_space<hbm>>)
    %dma_wait3A_33 = arith.constant 0 : i32
    %dma_wait3A_34 = tpu.memref_slice %arg5[%mul3A_2, %dma_wait3A_33] : memref<819200x128xf32, #tpu.memory_space<hbm>> -> memref<128x128xf32, #tpu.memory_space<hbm>>
    %dma_wait3A_35 = arith.constant 0 : i32
    %dma_wait3A_36 = tpu.memref_slice %arg5[%mul3A_2, %dma_wait3A_35] : memref<819200x128xf32, #tpu.memory_space<hbm>> -> memref<128x128xf32, #tpu.memory_space<hbm>>
    tpu.wait_dma2 semaphore(%arg19 : memref<!tpu.dma_semaphore, #tpu.memory_space<semaphore_mem>>) src(%arg11 : memref<128x128xf32, #tpu.memory_space<vmem>>) dst(%dma_wait3A_36 : memref<128x128xf32, #tpu.memory_space<hbm>>)
    return
  }
}

</mosaic_0001>

<sc_bundles>
// kernel: _sc_gather_mul.3.cloned.1.call-start
scs
__scs_entry_jumppad:
0x0: {  	(pc) =	sbr.rel $0x88, $3  }
0x1: {  	(tag) =	ssettag $0x0;
	lr =	simm.s32 $0x1  }
0x2: {  	[smem:$0x3F9E] =	sst lr;
	_ =	strace $0xD0000000  }
0x3: {  	_ = 	snop  }
0x4: {  	_ = 	snop  }
0x5: {  	_ = 	snop  }
0x6: {  	_ = 	snop  }
0x7: {  	_ = 	snop  }
__scs_overlays_trampoline_lowered:
0x8: {  	[smem:$0x3FAD] =	sst s0  }
0x9: {  	[smem:$0x3FAE] =	sst s1  }
0xa: {  	[smem:$0x3FAF] =	sst s2  }
0xb: {  	[smem:$0x3FB0] =	sst s3  }
0xc: {  	[smem:$0x3FB1] =	sst s4  }
0xd: {  	[smem:$0x3FB2] =	sst s5  }
0xe: {  	[smem:$0x3FB3] =	sst s6  }
0xf: {  	[smem:$0x3FB4] =	sst s7  }
0x10: {  	[smem:$0x3FB5] =	sst s8  }
0x11: {  	[smem:$0x3FB6] =	sst s9;
	s0 =	simm.s32 @!p0 $0x0  }
0x12: {  	s1 =	sld [smem:$0x3F9C];
	s0 =	simm.s32 @p0 $0x1  }
0x13: {  	[smem:$0x3FB7] =	sst s0;
	s0 =	simm.s32 @!p1 $0x0  }
0x14: {  	s2 =	sld [smem:$0x3F9B];
	s0 =	simm.s32 @p1 $0x1  }
0x15: {  	[smem:$0x3FB8] =	sst s0;
	s0 =	simm.s32 @!p2 $0x0  }
0x16: {  	s3 =	sld [smem:$0x3FDB];
	s0 =	simm.s32 @p2 $0x1  }
0x17: {  	s4 =	simm.s32 $0x1BF5;
	[smem:$0x3FBA] =	sst s0  }
0x18: {  	s0 =	sld [smem:$0x3F9D];
	_ =	swait.ge [sflag:s4], $0x0  }
0x19: {  	s7 =	sld [smem:$0x3F9E]  }
0x1a: {  	s8 =	sadd.s32 $0xFFFFE003, lr  }
0x1b: {  	s9 =	sadd.s32 $0xFFFFFEF7, lr;
	s5 =	simm.s32 $0xFFFFFFFF;
	p2 =	slt.u32 s8, $0xFFFFF086  }
0x1c: {  	p1 =	slt.u32 s9, $0xF7A;
	s5 =	simm.s32 @!p2 $0x0  }
0x1d: {  	s5 =	simm.s32 @p1 $0x1;
	p0 =	seq.s32 s7, s2  }
0x1e: {  	s7 =	smul.u32 @!p0 $0xF7A, s2;
	p2 =	seq.s32 @!p0 s5, $0x0  }
0x1f: {  	s9 =	smul.u32 $0xF7A, s1;
	s8 =	simm.s32 @!p0 $0x1BF5;
	p2 =	por !p2, p0  }
0x20: {  	[sflag:s8] =	ssyncset.s32 @!p0 $0xFFFFF086;
	s6 =	sadd.s32 @!p0 s3, s7;
	s7 =	simm.s32 @!p0 $0x108  }
0x21: {  	s3 =	sadd.s32 s3, s9;
	s6 =	sadd.s32 @!p0 $0x88, s6;
	s7 =	simm.s32 @p2 $0x1082  }
0x22: {  	[simem:s7], [sflag:s8] =	dma.local @!p0 [hbm:s6], $0xF7A  }
0x23: {  	s9 =	sor.u32 $0xD0000000, s2;
	s6 =	simm.s32 $0x108;
	_ =	swait.ge @!p0 [sflag:s8], $0x0  }
0x24: {  	s3 =	sadd.s32 $0x88, s3;
	s6 =	simm.s32 @!p1 $0x1082;
	[sflag:s4] =	ssyncset.s32 $0xFFFFF086  }
0x25: {  	[simem:s6], [sflag:s4] =	dma.local [hbm:s3], $0xF7A  }
0x26: {  	[smem:$0x3F9E] =	sst s1;
	(tag) =	ssettag s2;
	_ =	strace s9  }
0x27: {  	s1 =	sld [smem:$0x3FAE]  }
0x28: {  	s2 =	sld [smem:$0x3FAF]  }
0x29: {  	s4 =	sld [smem:$0x3FB1]  }
0x2a: {  	p0 =	seq.s32 s5, $0x0;
	s5 =	sld [smem:$0x3FB2]  }
0x2b: {  	s6 =	sld [smem:$0x3FB3]  }
0x2c: {  	s7 =	sld [smem:$0x3FB4]  }
0x2d: {  	s3 =	simm.s32 $0x108;
	s8 =	sld [smem:$0x3FB5]  }
0x2e: {  	s3 =	simm.s32 @!p0 $0x1082;
	s9 =	sld [smem:$0x3FB6]  }
0x2f: {  	lr =	sadd.s32 s0, s3;
	s0 =	sld [smem:$0x3FAD]  }
0x30: {  	s3 =	sld [smem:$0x3FB0]  }
0x31: {  	[smem:$0x3FB9] =	sst s10  }
0x32: {  	s10 =	sld [smem:$0x3FB7];
	_ =	sdelay $0x3  }
0x33: {  	p0 =	seq.s32 s10, $0x1;
	s10 =	sld [smem:$0x3FB9];
	_ =	sdelay $0x3  }
0x34: {  	[smem:$0x3FB9] =	sst s10  }
0x35: {  	s10 =	sld [smem:$0x3FB8];
	_ =	sdelay $0x3  }
0x36: {  	p1 =	seq.s32 s10, $0x1;
	s10 =	sld [smem:$0x3FB9];
	_ =	sdelay $0x3  }
0x37: {  	[smem:$0x3FB9] =	sst s10  }
0x38: {  	s10 =	sld [smem:$0x3FBA]  }
0x39: {  	_ = 	snop;
	(pc) =	sbr.ind lr, $3  }
0x3a: {  	_ = 	snop  }
0x3b: {  	_ = 	snop  }
0x3c: {  	p2 =	seq.s32 s10, $0x1;
	s10 =	sld [smem:$0x3FB9]  }
0x3d: {  	_ =	shalt  }
0x3e: {  	_ =	shalt  }
0x3f: {  	_ =	shalt  }
0x40: {  	_ =	shalt  }
0x41: {  	_ =	shalt  }
0x42: {  	_ =	shalt  }
0x43: {  	_ =	shalt  }
0x44: {  	_ =	shalt  }
0x45: {  	_ =	shalt  }
0x46: {  	_ =	shalt  }
0x47: {  	_ =	shalt  }
0x48: {  	_ =	shalt  }
0x49: {  	_ =	shalt  }
0x4a: {  	_ =	shalt  }
0x4b: {  	_ =	shalt  }
0x4c: {  	_ =	shalt  }
0x4d: {  	_ =	shalt  }
0x4e: {  	_ =	shalt  }
0x4f: {  	_ =	shalt  }
0x50: {  	_ =	shalt  }
0x51: {  	_ =	shalt  }
0x52: {  	_ =	shalt  }
0x53: {  	_ =	shalt  }
0x54: {  	_ =	shalt  }
0x55: {  	_ =	shalt  }
0x56: {  	_ =	shalt  }
0x57: {  	_ =	shalt  }
0x58: {  	_ =	shalt  }
0x59: {  	_ =	shalt  }
0x5a: {  	_ =	shalt  }
0x5b: {  	_ =	shalt  }
0x5c: {  	_ =	shalt  }
0x5d: {  	_ =	shalt  }
0x5e: {  	_ =	shalt  }
0x5f: {  	_ =	shalt  }
0x60: {  	_ =	shalt  }
0x61: {  	_ =	shalt  }
0x62: {  	_ =	shalt  }
0x63: {  	_ =	shalt  }
0x64: {  	_ =	shalt  }
0x65: {  	_ =	shalt  }
0x66: {  	_ =	shalt  }
0x67: {  	_ =	shalt  }
0x68: {  	_ =	shalt  }
0x69: {  	_ =	shalt  }
0x6a: {  	_ =	shalt  }
0x6b: {  	_ =	shalt  }
0x6c: {  	_ =	shalt  }
0x6d: {  	_ =	shalt  }
0x6e: {  	_ =	shalt  }
0x6f: {  	_ =	shalt  }
0x70: {  	_ =	shalt  }
0x71: {  	_ =	shalt  }
0x72: {  	_ =	shalt  }
0x73: {  	_ =	shalt  }
0x74: {  	_ =	shalt  }
0x75: {  	_ =	shalt  }
0x76: {  	_ =	shalt  }
0x77: {  	_ =	shalt  }
0x78: {  	_ =	shalt  }
0x79: {  	_ =	shalt  }
0x7a: {  	_ =	shalt  }
0x7b: {  	_ =	shalt  }
0x7c: {  	_ =	shalt  }
0x7d: {  	_ =	shalt  }
0x7e: {  	_ =	shalt  }
0x7f: {  	_ =	shalt  }
0x80: {  	_ =	shalt  }
0x81: {  	_ =	shalt  }
0x82: {  	_ =	shalt  }
0x83: {  	_ =	shalt  }
0x84: {  	_ =	shalt  }
0x85: {  	_ =	shalt  }
0x86: {  	_ =	shalt  }
0x87: {  	_ =	shalt  }
.Lfunc_end0:
.L_simem_size_0:
called_computation_lowered:
.L_overlay_start_0:
0x88: {  	s2 =	sld [smem:$0x3FD9]  }
0x89: {  	s3 =	sld [smem:$0x3FFE];
	_ =	sdelay $0x1  }
0x8a: {  	s1 =	srdreg.scid  }
0x8b: {  	s0 =	sand.u32 $0x1, s1  }
0x8c: {  	s18 =	sshll.u32 s0, $0xA;
	s2 =	sadd.s32 s3, s2  }
0x8d: {  	s2 =	sadd.s32 s2, s18  }
0x8e: {  	[smem:$0x3FC5] =	sst s2  }
0x8f: {  	_ = 	snop  }
0x90: {  	s2 =	sld [smem:$0x3FC9]  }
0x91: {  	s19 =	sld [smem:$0x3FC8]  }
0x92: {  	s4 =	sld [smem:$0x3FC7]  }
0x93: {  	s5 =	sld [smem:$0x3FD0];
	(tm) =	ssettm $0x1  }
0x94: {  	s6 =	sld [smem:$0x3FFB];
	_ =	sdelay $0x3  }
0x95: {  	_ =	strace s6  }
0x96: {  	s6 =	sld [smem:$0x3FFC];
	_ =	sdelay $0x3  }
0x97: {  	_ =	strace s6  }
0x98: {  	s6 =	sld [smem:$0x3FFD];
	_ =	sdelay $0x3  }
0x99: {  	_ =	strace s6  }
0x9a: {  	_ =	strace $0x8FFFFFFF  }
0x9b: {  	s20 =	sld [smem:$0x3FDB];
	_ =	sdelay $0x1  }
0x9c: {  	s7 =	simm.s32 $_scs_section_size  }
0x9d: {  	s8 =	simm.s32 $_size__tile_overlayer_lowered;
	s9 =	simm.s32 $_tile_overlayer_lowered  }
0x9e: {  	s23 =	simm.s32 $0x1BFF;
	s22 =	sshll.u32 s9, $0x1;
	s6 =	sadd.s32 s7, s20  }
0x9f: {  	s10 =	simm.s32 $0x0;
	s21 =	sshll.u32 s8, $0x1;
	s8 =	sadd.s32 s22, s6  }
0xa0: {  	[timem:s10], [sflag:s23] =	dma.local [hbm:s8], s21  }
0xa1: {  	_ =	swait.ge [sflag:s23], s21  }
0xa2: {  	s7 =	ssub.s32 $0x0, s21;
	[sflag:s23] =	ssyncset.done $0x0  }
0xa3: {  	[sflag:s23] =	ssyncadd.s32 s7;
	_ =	sdelay $0x1  }
0xa4: {  	s24 =	simm.s32 $0x1B8B  }
0xa5: {  	_ =	swait.ge [sflag:s24], $0x1  }
0xa6: {  	[sflag:s24] =	ssyncset.done $0x0  }
0xa7: {  	s25 =	simm.s32 $0x1B8E;
	[sflag:s24] =	ssyncadd.s32 $0xFFFFFFFF  }
0xa8: {  	s26 =	simm.s32 $execute0_lowered;
	[smem:$0x3FD2] =	sst s25  }
0xa9: {  	s7 =	sshll.u32 s26, $0x1;
	_ =	strace $0x80000046;
	[dreg:$0x1] =	wrdreg $0xFFFFFFFF  }
0xaa: {  	s28 =	simm.s32 $_size_execute0_lowered;
	s6 =	sadd.s32 s6, s7;
	[dreg:$0x0] =	wrdreg $0x0  }
0xab: {  	s7 =	sshll.u32 s28, $0x1;
	[dreg:$0x2] =	wrdreg s6  }
0xac: {  	[dreg:$0x3] =	wrdreg s7  }
0xad: {  	[dreg:$0x4] =	wrdreg $0xC0  }
0xae: {  	_ =	task [dreg:s10], $0x5FFFF  }
0xaf: {  	[dreg:$0x1] =	wrdreg $0xFFFFFFFF  }
0xb0: {  	[dreg:$0x0] =	wrdreg $0x60  }
0xb1: {  	[dreg:$0x2] =	wrdreg s2  }
0xb2: {  	[dreg:$0x3] =	wrdreg s19  }
0xb3: {  	[dreg:$0x4] =	wrdreg s4  }
0xb4: {  	[dreg:$0x5] =	wrdreg s5  }
0xb5: {  	[dreg:$0x6] =	wrdreg $0x9  }
0xb6: {  	_ =	task.clear_ibuf [dreg:s10], $0x7FFFF;
	_ =	strace $0x90000046  }
0xb7: {  	s29 =	simm.s32 $0x9;
	_ =	strace $0x80000048  }
0xb8: {  	_ =	swait.ge [sflag:s29], $0x1  }
0xb9: {  	[sflag:s29] =	ssyncadd.s32 $0xFFFFFFFF  }
0xba: {  	_ =	strace $0x90000048  }
0xbb: {  	_ =	sfence  }
0xbc: {  	s30 =	sld [smem:$0x0];
	_ =	sdelay $0x2  }
0xbd: {  	s31 =	sshll.u32 s1, $0xD;
	s1 =	sshrl.u32 s1, $0x2  }
0xbe: {  	s3 =	sand.u32 $0x4000, s31;
	s1 =	sadd.s32 s1, s30  }
0xbf: {  	s0 =	sor.u32 s3, s0;
	s1 =	sshll.u32 s1, $0x11  }
0xc0: {  	s0 =	sor.u32 s1, s0  }
0xc1: {  	s0 =	sadd.s32 $0x8F2B, s0  }
0xc2: {  	[sflag:s0] =	ssyncadd.remote.s32 $0x1  }
0xc3: {  	_ =	sfence.sel $0xFFFF  }
0xc4: {  	[dreg:$0x0] =	wrdreg $0xFFFFFFFF;
	(pc) =	sbr.abs _section_cstart, $3  }
0xc5: {  	[dreg:$0x1] =	wrdreg $0xFFFFFFFF  }
0xc6: {  	_ =	task.clear_ibuf [dreg:s10], $0x2FFFF;
	_ =	strace $0x9FFFFFFF  }
0xc7: {  	(tm) =	ssettm $0x7FFFFFFF  }
tec
execute0_lowered:
.L_overlay_start_1:
0x0: {  	(tag) =	ssettag $0x1  }
0x1: {  	s2 =	srdreg.scid;
	s3 =	stileid.u32  }
0x2: {  	s0 =	rddreg [dreg:$0x0];
	s2 =	sand.u32 $0x1, s2;
	s3 =	sshll.u32 s3, $0x1  }
0x3: {  	s1 =	rddreg [dreg:$0x1];
	s3 =	sor.u32 s2, s3  }
0x4: {  	s4 =	rddreg [dreg:$0x3];
	s2 =	ssub.s32 $0x2, s2;
	s5 =	smul.u32 $0x6400, s3  }
.Ltmp0:
0x5: {  	s6 =	simm.s32 $0x0;
	s30 =	sshrl.u32 s2, $0x1;
	(pc) =	sbr.rel .LBB2_1-.Ltmp0, $4  }
0x6: {  	s18 =	simm.s32 $0x14800;
	s20 =	simm.s32 $0x4;
	s2 =	ssub.s32 s2, s30  }
0x7: {  	[smem:$0x7FF] =	sst s6;
	s7 =	sshrl.u32 s5, $0x3;
	s31 =	smax.u32 s2, $0x1  }
0x8: {  	_ =	strace $0x80000047;
	s0 =	sadd.s32 s0, s7;
	[dreg:$0x6] =	wrdreg s31  }
0x9: {  	s23 =	simm.s32 $0x7;
	s3 =	simm.s32 $0x0;
	[dreg:$0x5] =	wrdreg s0  }
.LBB2_12:
0xa: {  	s0 =	simm.s32 $0x5  }
0xb: {  	_ =	swait.ge [sflag:s0], $0x4000  }
0xc: {  	[sflag:s0] =	ssyncset.done $0x0  }
0xd: {  	s30 =	simm.s32 $0x6;
	[sflag:s0] =	ssyncadd.s32 $0xFFFFC000  }
0xe: {  	_ =	swait.ge [sflag:s30], $0x4000  }
0xf: {  	[sflag:s30] =	ssyncset.done $0x0  }
0x10: {  	[sflag:s30] =	ssyncadd.s32 $0xFFFFC000  }
0x11: {  	_ =	swait.ge [sflag:s23], $0x4000  }
0x12: {  	[sflag:s23] =	ssyncset.done $0x0  }
0x13: {  	s2 =	simm.s32 $0x8;
	[sflag:s23] =	ssyncadd.s32 $0xFFFFC000  }
0x14: {  	_ =	swait.ge [sflag:s2], $0x4000  }
0x15: {  	s3 =	rddreg [dreg:$0x7]  }
0x16: {  	s31 =	rddreg [dreg:$0x6];
	s3 =	sadd.s32 $0x1, s3  }
0x17: {  	p0 =	sne.s32 s3, s31  }
.Ltmp1:
0x18: {  	_ = 	snop;
	(pc) =	sbr.rel @!p0 .LBB2_13-.Ltmp1, $3  }
0x19: {  	_ =	sdelay $0x1  }
0x1a: {  	[sflag:s2] =	ssyncset.done $0x0  }
0x1b: {  	[sflag:s2] =	ssyncadd.s32 $0xFFFFC000  }
.LBB2_1:
0x1c: {  	[dreg:$0x7] =	wrdreg s3  }
0x1d: {  	s0 =	rddreg [dreg:$0x5];
	s2 =	simm.s32 $0x9  }
0x1e: {  	[tilespmem:s6], [sflag:$0x9] =	stream.linear.gather [hbm4b:s0+s6], $0x6400, $0x38;
	[tilespmem:$0x1C800] =	vst v63  }
0x1f: {  	_ =	swait.ge [sflag:s2], $0x6400  }
0x20: {  	[sflag:s2] =	ssyncset.done $0x0  }
0x21: {  	[sflag:s2] =	ssyncadd.s32 $0xFFFF9C00  }
0x22: {  	s21 =	simm.s32 $0x6400;
	s19 =	rddreg [dreg:$0x2]  }
0x23: {  	[tilespmem:s21], [sflag:$0x9] =	stream.linear.gather [hbm4b:s19+s6], $0x3200, $0x38;
	[tilespmem:$0x1C800] =	vst v63  }
0x24: {  	_ =	swait.ge [sflag:s2], $0x3200  }
0x25: {  	[sflag:s2] =	ssyncset.done $0x0  }
0x26: {  	s22 =	simm.s32 $0x9600;
	s24 =	simm.s32 $0xC800;
	[sflag:s2] =	ssyncadd.s32 $0xFFFFCE00  }
0x27: {  	[tilespmem:s22], [sflag:$0x9] =	stream.linear.gather [hbm4b:s19+s6], $0x3200, $0x38;
	[tilespmem:$0x1C800] =	vst v63  }
0x28: {  	s25 =	simm.s32 $0x80;
	s26 =	simm.s32 $0x10800;
	_ =	swait.ge [sflag:s2], $0x3200  }
0x29: {  	s28 =	simm.s32 $0x64C0;
	s29 =	simm.s32 $0x84C0;
	[sflag:s2] =	ssyncset.done $0x0  }
0x2a: {  	s30 =	simm.s32 $0xA4C0;
	s31 =	simm.s32 $0x180;
	[sflag:s2] =	ssyncadd.s32 $0xFFFFCE00  }
0x2b: {  	[tilespmem:s24], [sflag:$0x1] =	stream.indirect.gather [hbm4b:s1+s25], $0x80, s6, s25, $0xb8;
	[tilespmem:$0x1C800] =	vst v63  }
0x2c: {  	s10 =	simm.s32 $0x0;
	s11 =	simm.s32 $0x0;
	s3 =	simm.s32 $0x0  }
0x2d: {  	[tilespmem:s26], [sflag:$0x2] =	stream.indirect.gather [hbm4b:s1+s25], $0x80, s25, s25, $0xb8;
	[tilespmem:$0x1C800] =	vst v63  }
0x2e: {  	s0 =	simm.s32 $0x80;
	s2 =	simm.s32 $0xC4C0;
	s26 =	simm.s32 $0x100  }
0x2f: {  	[tilespmem:s18], [sflag:$0x3] =	stream.indirect.gather [hbm4b:s1+s25], $0x80, s26, s25, $0xb8;
	[tilespmem:$0x1C800] =	vst v63  }
.LBB2_2:
0x30: {  	s7 =	smulhi.u32 $0x51EB851F, s11;
	_ =	sdelay $0x1  }
0x31: {  	s7 =	sshrl.u32 s7, $0x6  }
0x32: {  	s8 =	smul.u32 $0xFFFF3800, s7;
	_ =	sdelay $0x1  }
0x33: {  	s14 =	simm.s32 $0x1;
	s8 =	sshra.s32 s8, $0x2  }
0x34: {  	_ =	swait.ge [sflag:s14], $0x4000;
	v0 =	vmov s8  }
0x35: {  	[sflag:s14] =	ssyncset.done $0x0  }
0x36: {  	s21 =	simm.s32 $0xC900;
	[sflag:s14] =	ssyncadd.s32 $0xFFFFC000  }
0x37: {  	v2 =	vld [tilespmem:s21+$0x0]  }
0x38: {  	v4 =	vld [tilespmem:s21+$0xFFFFFF00]  }
0x39: {  	v1 =	vld.idx.msk [tilespmem:v0+s28+$0xFFFFFFC0 ss:$0x1], $0xffff  }
0x3a: {  	v3 =	vld.idx.msk [tilespmem:v0+s28+$0xFFFFFF40 ss:$0x1], $0xffff;
	_ =	sdelay $0x1  }
0x3b: {  	v7 =	vld [tilespmem:s21+$0xFFFFFF80]  }
0x3c: {  	v5 =	vld.idx.msk [tilespmem:v0+s28+$0xFFFFFF80 ss:$0x1], $0xffff  }
0x3d: {  	v6 =	vld.idx.msk [tilespmem:v0+s28+$0x0 ss:$0x1], $0xffff;
	v1 =	vmul.f32 v1, v2  }
0x3e: {  	v2 =	vld [tilespmem:s21+$0x80];
	v3 =	vmul.f32 v3, v4  }
0x3f: {  	v4 =	vld [tilespmem:s21+$0xFFFFFF10];
	[tilespmem:s21+$0x0] =	vst v1  }
0x40: {  	s7 =	smul.u32 $0x3200, s7;
	[tilespmem:s21+$0xFFFFFF00] =	vst v3;
	v3 =	vld [tilespmem:s21+$0x10]  }
0x41: {  	v1 =	vld.idx.msk [tilespmem:v0+s28+$0xFFFFFFD0 ss:$0x1], $0xffff  }
0x42: {  	s12 =	ssub.s32 s10, s7;
	v5 =	vmul.f32 v5, v7;
	v8 =	vld.idx.msk [tilespmem:v0+s28+$0xFFFFFF50 ss:$0x1], $0xffff  }
0x43: {  	s7 =	sadd.s32 $0x40, s12;
	v7 =	vld [tilespmem:s21+$0xFFFFFF90];
	v2 =	vmul.f32 v6, v2  }
0x44: {  	s14 =	sadd.s32 $0xC0, s12;
	s15 =	sor.u32 $0x50, s7;
	[tilespmem:s21+$0xFFFFFF80] =	vst v5;
	v5 =	vld [tilespmem:s21+$0x90]  }
0x45: {  	s16 =	sor.u32 $0x50, s14;
	v6 =	vld [tilespmem:s15+$0x6400];
	[tilespmem:s21+$0x80] =	vst v2  }
0x46: {  	v2 =	vld [tilespmem:s16+$0x6400]  }
0x47: {  	v1 =	vmul.f32 v1, v3;
	v3 =	vld [tilespmem:s21+$0xFFFFFF20];
	v4 =	vmul.f32 v8, v4  }
0x48: {  	v8 =	vld [tilespmem:s21+$0xFFFFFFA0]  }
0x49: {  	[tilespmem:s21+$0xFFFFFF10] =	vst v4;
	v4 =	vld [tilespmem:s21+$0x20]  }
0x4a: {  	[tilespmem:s21+$0x10] =	vst v1;
	v1 =	vmul.f32 v6, v7;
	v7 =	vld [tilespmem:s21+$0xA0]  }
0x4b: {  	v9 =	vld.idx.msk [tilespmem:v0+s28+$0xFFFFFFE0 ss:$0x1], $0xffff;
	v2 =	vmul.f32 v2, v5  }
0x4c: {  	s17 =	smulhi.u32 $0x51EB851F, s31;
	s9 =	sor.u32 $0x60, s7;
	v6 =	vld.idx.msk [tilespmem:v0+s28+$0xFFFFFF60 ss:$0x1], $0xffff;
	[tilespmem:s21+$0xFFFFFF90] =	vst v1  }
0x4d: {  	s13 =	smulhi.u32 $0x51EB851F, s26;
	s18 =	sor.u32 $0x60, s14;
	v5 =	vld [tilespmem:s9+$0x6400];
	[tilespmem:s21+$0x90] =	vst v2  }
0x4e: {  	s8 =	sshrl.u32 s17, $0x6;
	s16 =	smulhi.u32 $0x51EB851F, s0;
	v10 =	vld [tilespmem:s18+$0x6400]  }
0x4f: {  	s22 =	smul.u32 $0xFFFF3800, s8;
	v1 =	vld [tilespmem:s21+$0xFFFFFF30]  }
0x50: {  	s8 =	smul.u32 $0x3200, s8;
	s16 =	sshrl.u32 s16, $0x6;
	v2 =	vld [tilespmem:s21+$0xFFFFFFB0];
	v4 =	vmul.f32 v9, v4  }
0x51: {  	s13 =	sshrl.u32 s13, $0x6;
	s17 =	smul.u32 $0x3200, s16;
	v6 =	vmul.f32 v6, v3;
	v3 =	vld [tilespmem:s21+$0xB0]  }
0x52: {  	s9 =	smul.u32 $0xFFFF3800, s13;
	[tilespmem:s21+$0x20] =	vst v4;
	v8 =	vmul.f32 v5, v8;
	v5 =	vld [tilespmem:s21+$0x30]  }
0x53: {  	s19 =	sor.u32 $0x70, s7;
	s13 =	smul.u32 $0x3200, s13;
	[tilespmem:s21+$0xFFFFFF20] =	vst v6;
	v4 =	vld.idx.msk [tilespmem:v0+s28+$0xFFFFFFF0 ss:$0x1], $0xffff;
	v9 =	vmul.f32 v10, v7  }
0x54: {  	s7 =	sshll.u32 s3, $0x9;
	s14 =	sor.u32 $0x70, s14;
	s8 =	ssub.s32 s10, s8;
	v6 =	vld.idx.msk [tilespmem:v0+s28+$0xFFFFFF70 ss:$0x1], $0xffff;
	[tilespmem:s21+$0xFFFFFFA0] =	vst v8  }
0x55: {  	s25 =	ssub.s32 s10, s17;
	s17 =	simm.s32 $0x0;
	s24 =	ssub.s32 s10, s13;
	v7 =	vld [tilespmem:s19+$0x6400];
	[tilespmem:s21+$0xA0] =	vst v9  }
0x56: {  	s13 =	smul.u32 $0xFFFF3800, s16;
	s16 =	sadd.s32 $0x100, s28;
	v8 =	vld [tilespmem:s14+$0x6400];
	s14 =	simm.s32 $0xC900  }
.LBB2_3:
0x57: {  	v9 =	vld.idx.msk [tilespmem:v0+s16+$0xFFFFFFC0 ss:$0x1], $0xffff;
	s17 =	sadd.s32 $0x4, s17;
	s21 =	sadd.s32 $0x200, s21  }
0x58: {  	v10 =	vld [tilespmem:s21+$0x0];
	p0 =	slt.u32 s17, $0x7C;
	v4 =	vmul.f32 v4, v5  }
0x59: {  	v5 =	vld.idx.msk [tilespmem:v0+s16+$0xFFFFFF40 ss:$0x1], $0xffff  }
0x5a: {  	v1 =	vmul.f32 v6, v1;
	v11 =	vld [tilespmem:s21+$0xFFFFFF00];
	v2 =	vmul.f32 v7, v2;
	[tilespmem:s14+$0x30] =	vst v4  }
0x5b: {  	v4 =	vld.idx.msk [tilespmem:v0+s16+$0xFFFFFF80 ss:$0x1], $0xffff;
	v3 =	vmul.f32 v8, v3  }
0x5c: {  	v6 =	vld.idx.msk [tilespmem:v0+s16+$0x0 ss:$0x1], $0xffff;
	[tilespmem:s14+$0xFFFFFF30] =	vst v1  }
0x5d: {  	v1 =	vld [tilespmem:s21+$0xFFFFFF80];
	v7 =	vmul.f32 v9, v10;
	[tilespmem:s14+$0xFFFFFFB0] =	vst v2  }
0x5e: {  	v2 =	vld [tilespmem:s21+$0x80];
	[tilespmem:s14+$0xB0] =	vst v3;
	s14 =	smov.u32 s21  }
0x5f: {  	v3 =	vmul.f32 v5, v11;
	v5 =	vld [tilespmem:s21+$0xFFFFFF10];
	[tilespmem:s21+$0x0] =	vst v7  }
0x60: {  	v7 =	vld.idx.msk [tilespmem:v0+s16+$0xFFFFFFD0 ss:$0x1], $0xffff  }
0x61: {  	[tilespmem:s21+$0xFFFFFF00] =	vst v3;
	v3 =	vld [tilespmem:s21+$0x10]  }
0x62: {  	s12 =	sadd.s32 $0x100, s12;
	v8 =	vld.idx.msk [tilespmem:v0+s16+$0xFFFFFF50 ss:$0x1], $0xffff;
	v1 =	vmul.f32 v4, v1  }
0x63: {  	s15 =	sadd.s32 $0x40, s12;
	v4 =	vld [tilespmem:s21+$0xFFFFFF90];
	v2 =	vmul.f32 v6, v2  }
0x64: {  	s19 =	sadd.s32 $0xC0, s12;
	s18 =	sor.u32 $0x50, s15;
	[tilespmem:s21+$0xFFFFFF80] =	vst v1;
	v1 =	vld [tilespmem:s21+$0x90]  }
0x65: {  	v6 =	vld [tilespmem:s18+$0x6400];
	[tilespmem:s21+$0x80] =	vst v2;
	s18 =	sor.u32 $0x50, s19  }
0x66: {  	v2 =	vmul.f32 v7, v3;
	v3 =	vld [tilespmem:s18+$0x6400]  }
0x67: {  	v7 =	vld [tilespmem:s21+$0xFFFFFF20]  }
0x68: {  	v5 =	vmul.f32 v8, v5;
	v8 =	vld [tilespmem:s21+$0xFFFFFFA0];
	[tilespmem:s21+$0x10] =	vst v2  }
0x69: {  	v2 =	vld.idx.msk [tilespmem:v0+s16+$0xFFFFFFE0 ss:$0x1], $0xffff  }
0x6a: {  	[tilespmem:s21+$0xFFFFFF10] =	vst v5;
	v4 =	vmul.f32 v6, v4;
	v5 =	vld [tilespmem:s21+$0x20]  }
0x6b: {  	v6 =	vld.idx.msk [tilespmem:v0+s16+$0xFFFFFF60 ss:$0x1], $0xffff;
	v1 =	vmul.f32 v3, v1  }
0x6c: {  	s18 =	sor.u32 $0x60, s15;
	[tilespmem:s21+$0xFFFFFF90] =	vst v4;
	v9 =	vld [tilespmem:s21+$0xA0]  }
0x6d: {  	v4 =	vld [tilespmem:s18+$0x6400];
	[tilespmem:s21+$0x90] =	vst v1;
	s18 =	sor.u32 $0x60, s19  }
0x6e: {  	v10 =	vld [tilespmem:s18+$0x6400]  }
0x6f: {  	v1 =	vld [tilespmem:s21+$0xFFFFFF30];
	v3 =	vmul.f32 v2, v5  }
0x70: {  	v2 =	vld [tilespmem:s21+$0xFFFFFFB0]  }
0x71: {  	v5 =	vmul.f32 v6, v7;
	[tilespmem:s21+$0x20] =	vst v3;
	v3 =	vld [tilespmem:s21+$0xB0]  }
.Ltmp2:
0x72: {  	v7 =	vmul.f32 v4, v8;
	v4 =	vld.idx.msk [tilespmem:v0+s16+$0xFFFFFFF0 ss:$0x1], $0xffff;
	(pc) =	sbr.rel @p0 .LBB2_3-.Ltmp2, $4  }
0x73: {  	[tilespmem:s21+$0xFFFFFF20] =	vst v5;
	v5 =	vld [tilespmem:s21+$0x30];
	v8 =	vmul.f32 v10, v9  }
0x74: {  	s15 =	sor.u32 $0x70, s15;
	v6 =	vld.idx.msk [tilespmem:v0+s16+$0xFFFFFF70 ss:$0x1], $0xffff;
	[tilespmem:s21+$0xFFFFFFA0] =	vst v7  }
0x75: {  	v7 =	vld [tilespmem:s15+$0x6400];
	[tilespmem:s21+$0xA0] =	vst v8;
	s15 =	sor.u32 $0x70, s19  }
0x76: {  	s16 =	sadd.s32 $0x100, s16;
	v8 =	vld [tilespmem:s15+$0x6400]  }
0x77: {  	_ = 	snop  }
0x78: {  	v0 =	vmul.f32 v4, v5  }
0x79: {  	v1 =	vmul.f32 v6, v1  }
0x7a: {  	v2 =	vmul.f32 v7, v2;
	[tilespmem:s14+$0x30] =	vst v0  }
0x7b: {  	s12 =	sadd.s32 s5, s7;
	v0 =	vmul.f32 v8, v3;
	[tilespmem:s14+$0xFFFFFF30] =	vst v1  }
0x7c: {  	s12 =	sshll.u32 s12, $0x4;
	[tilespmem:s14+$0xFFFFFFB0] =	vst v2  }
0x7d: {  	s15 =	simm.s32 $0xC800;
	p0 =	seq.s32 s3, $0x0;
	s12 =	sadd.s32 s4, s12;
	[tilespmem:s14+$0xB0] =	vst v0  }
0x7e: {  	[hbm4b:s12+s6] =	stream.linear.scatter [tilespmem:s15], [sflag:$0x5], $0x4000, $0x38;
	[tilespmem:$0x1C800] =	vst v63  }
0x7f: {  	s16 =	sshllo.u32 s3, $0x2;
	s12 =	simm.s32 @!p0 $0x8  }
0x80: {  	s13 =	sshra.s32 s13, $0x2;
	s18 =	simm.s32 $0x80;
	_ =	swait.ge @!p0 [sflag:s12], $0x4000  }
0x81: {  	s19 =	simm.s32 $0x18800;
	s21 =	sshll.u32 s16, $0x7;
	[sflag:s12] =	ssyncset.done @!p0 $0x0  }
0x82: {  	s17 =	sand.u32 $0x3FFFFF80, s21;
	v0 =	vmov s13;
	s14 =	simm.s32 $0x2;
	[sflag:s12] =	ssyncadd.s32 @!p0 $0xFFFFC000  }
0x83: {  	[tilespmem:s19], [sflag:$0x4] =	stream.indirect.gather [hbm4b:s1+s18], $0x80, s17, s18, $0xb8;
	[tilespmem:$0x1C800] =	vst v63  }
0x84: {  	_ =	swait.ge [sflag:s14], $0x4000  }
0x85: {  	[sflag:s14] =	ssyncset.done $0x0  }
0x86: {  	[sflag:s14] =	ssyncadd.s32 $0xFFFFC000  }
0x87: {  	s12 =	simm.s32 $0x10900;
	v1 =	vld.idx.msk [tilespmem:v0+s29+$0xFFFFFFC0 ss:$0x1], $0xffff  }
0x88: {  	v2 =	vld [tilespmem:s12+$0x0]  }
0x89: {  	v3 =	vld.idx.msk [tilespmem:v0+s29+$0xFFFFFF40 ss:$0x1], $0xffff  }
0x8a: {  	v4 =	vld [tilespmem:s12+$0xFFFFFF00];
	_ =	sdelay $0x1  }
0x8b: {  	v5 =	vld.idx.msk [tilespmem:v0+s29+$0xFFFFFF80 ss:$0x1], $0xffff  }
0x8c: {  	v6 =	vld.idx.msk [tilespmem:v0+s29+$0x0 ss:$0x1], $0xffff  }
0x8d: {  	v7 =	vld [tilespmem:s12+$0xFFFFFF80];
	v1 =	vmul.f32 v1, v2  }
0x8e: {  	v2 =	vld [tilespmem:s12+$0x80];
	v3 =	vmul.f32 v3, v4  }
0x8f: {  	v4 =	vld [tilespmem:s12+$0xFFFFFF10];
	[tilespmem:s12+$0x0] =	vst v1  }
0x90: {  	[tilespmem:s12+$0xFFFFFF00] =	vst v3;
	v3 =	vld [tilespmem:s12+$0x10]  }
0x91: {  	v1 =	vld.idx.msk [tilespmem:v0+s29+$0xFFFFFFD0 ss:$0x1], $0xffff  }
0x92: {  	v5 =	vmul.f32 v5, v7;
	v8 =	vld.idx.msk [tilespmem:v0+s29+$0xFFFFFF50 ss:$0x1], $0xffff  }
0x93: {  	s15 =	sadd.s32 $0x2040, s25;
	v7 =	vld [tilespmem:s12+$0xFFFFFF90];
	v2 =	vmul.f32 v6, v2  }
0x94: {  	s16 =	sand.u32 $0x7F00, s15;
	s15 =	sadd.s32 $0x20C0, s25;
	[tilespmem:s12+$0xFFFFFF80] =	vst v5;
	v5 =	vld [tilespmem:s12+$0x90]  }
0x95: {  	s17 =	sor.u32 $0x50, s15;
	v6 =	vld [tilespmem:s16+$0x6450];
	[tilespmem:s12+$0x80] =	vst v2  }
0x96: {  	v1 =	vmul.f32 v1, v3;
	v2 =	vld [tilespmem:s17+$0x6400]  }
0x97: {  	v3 =	vld [tilespmem:s12+$0xFFFFFF20];
	v4 =	vmul.f32 v8, v4  }
0x98: {  	v8 =	vld [tilespmem:s12+$0xFFFFFFA0];
	[tilespmem:s12+$0x10] =	vst v1  }
0x99: {  	[tilespmem:s12+$0xFFFFFF10] =	vst v4;
	v4 =	vld [tilespmem:s12+$0x20]  }
0x9a: {  	v1 =	vmul.f32 v6, v7;
	v9 =	vld.idx.msk [tilespmem:v0+s29+$0xFFFFFFE0 ss:$0x1], $0xffff  }
0x9b: {  	v6 =	vld.idx.msk [tilespmem:v0+s29+$0xFFFFFF60 ss:$0x1], $0xffff;
	v2 =	vmul.f32 v2, v5  }
0x9c: {  	[tilespmem:s12+$0xFFFFFF90] =	vst v1;
	v5 =	vld [tilespmem:s12+$0xA0]  }
0x9d: {  	s18 =	sor.u32 $0x60, s15;
	v7 =	vld [tilespmem:s16+$0x6460];
	[tilespmem:s12+$0x90] =	vst v2  }
0x9e: {  	v10 =	vld [tilespmem:s18+$0x6400]  }
0x9f: {  	v1 =	vld [tilespmem:s12+$0xFFFFFF30];
	v4 =	vmul.f32 v9, v4  }
0xa0: {  	v2 =	vld [tilespmem:s12+$0xFFFFFFB0];
	v6 =	vmul.f32 v6, v3  }
0xa1: {  	v3 =	vld [tilespmem:s12+$0xB0];
	[tilespmem:s12+$0x20] =	vst v4  }
0xa2: {  	v7 =	vmul.f32 v7, v8;
	[tilespmem:s12+$0xFFFFFF20] =	vst v6;
	v6 =	vld [tilespmem:s12+$0x30]  }
0xa3: {  	v4 =	vld.idx.msk [tilespmem:v0+s29+$0xFFFFFFF0 ss:$0x1], $0xffff;
	v8 =	vmul.f32 v10, v5  }
0xa4: {  	[tilespmem:s12+$0xFFFFFFA0] =	vst v7;
	v5 =	vld.idx.msk [tilespmem:v0+s29+$0xFFFFFF70 ss:$0x1], $0xffff  }
0xa5: {  	s13 =	sor.u32 $0x80, s7;
	s19 =	sor.u32 $0x70, s15;
	v7 =	vld [tilespmem:s16+$0x6470];
	[tilespmem:s12+$0xA0] =	vst v8  }
0xa6: {  	s14 =	simm.s32 $0x10900;
	s17 =	sadd.s32 $0x100, s29;
	s16 =	simm.s32 $0x0;
	v8 =	vld [tilespmem:s19+$0x6400]  }
.LBB2_5:
0xa7: {  	v9 =	vld.idx.msk [tilespmem:v0+s17+$0xFFFFFFC0 ss:$0x1], $0xffff;
	s16 =	sadd.s32 $0x4, s16;
	s12 =	sadd.s32 $0x200, s12  }
0xa8: {  	v10 =	vld [tilespmem:s12+$0x0];
	p0 =	slt.u32 s16, $0x7C;
	v4 =	vmul.f32 v4, v6  }
0xa9: {  	v6 =	vld.idx.msk [tilespmem:v0+s17+$0xFFFFFF40 ss:$0x1], $0xffff  }
0xaa: {  	v1 =	vmul.f32 v5, v1;
	v11 =	vld [tilespmem:s12+$0xFFFFFF00];
	v2 =	vmul.f32 v7, v2;
	[tilespmem:s14+$0x30] =	vst v4  }
0xab: {  	v4 =	vld.idx.msk [tilespmem:v0+s17+$0xFFFFFF80 ss:$0x1], $0xffff;
	v3 =	vmul.f32 v8, v3  }
0xac: {  	v5 =	vld.idx.msk [tilespmem:v0+s17+$0x0 ss:$0x1], $0xffff;
	[tilespmem:s14+$0xFFFFFF30] =	vst v1  }
0xad: {  	v1 =	vld [tilespmem:s12+$0xFFFFFF80];
	v7 =	vmul.f32 v9, v10;
	[tilespmem:s14+$0xFFFFFFB0] =	vst v2  }
0xae: {  	v2 =	vld [tilespmem:s12+$0x80];
	[tilespmem:s14+$0xB0] =	vst v3;
	s14 =	smov.u32 s12  }
0xaf: {  	v3 =	vmul.f32 v6, v11;
	v6 =	vld [tilespmem:s12+$0xFFFFFF10];
	[tilespmem:s12+$0x0] =	vst v7  }
0xb0: {  	v7 =	vld.idx.msk [tilespmem:v0+s17+$0xFFFFFFD0 ss:$0x1], $0xffff  }
0xb1: {  	[tilespmem:s12+$0xFFFFFF00] =	vst v3;
	v3 =	vld [tilespmem:s12+$0x10]  }
0xb2: {  	s25 =	sadd.s32 $0x100, s25;
	v8 =	vld.idx.msk [tilespmem:v0+s17+$0xFFFFFF50 ss:$0x1], $0xffff;
	v1 =	vmul.f32 v4, v1  }
0xb3: {  	s15 =	sadd.s32 $0x2040, s25;
	v4 =	vld [tilespmem:s12+$0xFFFFFF90];
	v2 =	vmul.f32 v5, v2  }
0xb4: {  	s18 =	sadd.s32 $0x20C0, s25;
	s15 =	sand.u32 $0x7F00, s15;
	[tilespmem:s12+$0xFFFFFF80] =	vst v1;
	v1 =	vld [tilespmem:s12+$0x90]  }
0xb5: {  	s19 =	sor.u32 $0x50, s18;
	v5 =	vld [tilespmem:s15+$0x6450];
	[tilespmem:s12+$0x80] =	vst v2  }
0xb6: {  	v2 =	vmul.f32 v7, v3;
	v3 =	vld [tilespmem:s19+$0x6400]  }
0xb7: {  	v7 =	vld [tilespmem:s12+$0xFFFFFF20]  }
0xb8: {  	v6 =	vmul.f32 v8, v6;
	v8 =	vld [tilespmem:s12+$0xFFFFFFA0];
	[tilespmem:s12+$0x10] =	vst v2  }
0xb9: {  	v2 =	vld.idx.msk [tilespmem:v0+s17+$0xFFFFFFE0 ss:$0x1], $0xffff  }
0xba: {  	[tilespmem:s12+$0xFFFFFF10] =	vst v6;
	v4 =	vmul.f32 v5, v4;
	v5 =	vld [tilespmem:s12+$0x20]  }
0xbb: {  	v6 =	vld.idx.msk [tilespmem:v0+s17+$0xFFFFFF60 ss:$0x1], $0xffff;
	v1 =	vmul.f32 v3, v1  }
0xbc: {  	[tilespmem:s12+$0xFFFFFF90] =	vst v4;
	v9 =	vld [tilespmem:s12+$0xA0]  }
0xbd: {  	s19 =	sor.u32 $0x60, s18;
	v4 =	vld [tilespmem:s15+$0x6460];
	[tilespmem:s12+$0x90] =	vst v1  }
0xbe: {  	v10 =	vld [tilespmem:s19+$0x6400]  }
0xbf: {  	v1 =	vld [tilespmem:s12+$0xFFFFFF30];
	v3 =	vmul.f32 v2, v5  }
0xc0: {  	v2 =	vld [tilespmem:s12+$0xFFFFFFB0]  }
0xc1: {  	v5 =	vmul.f32 v6, v7;
	[tilespmem:s12+$0x20] =	vst v3;
	v3 =	vld [tilespmem:s12+$0xB0]  }
.Ltmp3:
0xc2: {  	v7 =	vmul.f32 v4, v8;
	v4 =	vld.idx.msk [tilespmem:v0+s17+$0xFFFFFFF0 ss:$0x1], $0xffff;
	(pc) =	sbr.rel @p0 .LBB2_5-.Ltmp3, $4  }
0xc3: {  	[tilespmem:s12+$0xFFFFFF20] =	vst v5;
	v6 =	vld [tilespmem:s12+$0x30];
	v8 =	vmul.f32 v10, v9  }
0xc4: {  	v5 =	vld.idx.msk [tilespmem:v0+s17+$0xFFFFFF70 ss:$0x1], $0xffff;
	[tilespmem:s12+$0xFFFFFFA0] =	vst v7  }
0xc5: {  	v7 =	vld [tilespmem:s15+$0x6470];
	[tilespmem:s12+$0xA0] =	vst v8;
	s15 =	sor.u32 $0x70, s18  }
0xc6: {  	s17 =	sadd.s32 $0x100, s17;
	v8 =	vld [tilespmem:s15+$0x6400]  }
0xc7: {  	_ = 	snop  }
0xc8: {  	v0 =	vmul.f32 v4, v6  }
0xc9: {  	v1 =	vmul.f32 v5, v1  }
0xca: {  	v2 =	vmul.f32 v7, v2;
	[tilespmem:s14+$0x30] =	vst v0  }
0xcb: {  	s12 =	sadd.s32 s5, s13;
	v0 =	vmul.f32 v8, v3;
	[tilespmem:s14+$0xFFFFFF30] =	vst v1  }
0xcc: {  	s12 =	sshll.u32 s12, $0x4;
	[tilespmem:s14+$0xFFFFFFB0] =	vst v2  }
0xcd: {  	s25 =	simm.s32 $0x10800;
	p0 =	seq.s32 s3, $0x31;
	s12 =	sadd.s32 s4, s12;
	[tilespmem:s14+$0xB0] =	vst v0  }
0xce: {  	[hbm4b:s12+s6] =	stream.linear.scatter [tilespmem:s25], [sflag:$0x6], $0x4000, $0x38;
	[tilespmem:$0x1C800] =	vst v63  }
0xcf: {  	s12 =	simm.s32 @!p0 $0x5  }
0xd0: {  	s9 =	sshra.s32 s9, $0x2;
	s13 =	sshll.u32 @!p0 s3, $0x9;
	_ =	swait.ge @!p0 [sflag:s12], $0x4000  }
0xd1: {  	s14 =	simm.s32 @!p0 $0xC800;
	s25 =	sand.u32 @!p0 $0x3FFFFE00, s13;
	[sflag:s12] =	ssyncset.done @!p0 $0x0  }
0xd2: {  	s13 =	simm.s32 @!p0 $0x80;
	[sflag:s12] =	ssyncadd.s32 @!p0 $0xFFFFC000;
	s12 =	sadd.s32 @!p0 $0x200, s25  }
0xd3: {  	v0 =	vmov s9;
	[tilespmem:s14], [sflag:$0x1] =	stream.indirect.gather @!p0 [hbm4b:s1+s13], $0x80, s12, s13, $0xb8;
	[tilespmem:$0x1C800] =	vst v63  }
0xd4: {  	s13 =	simm.s32 $0x3  }
0xd5: {  	_ =	swait.ge [sflag:s13], $0x4000  }
0xd6: {  	[sflag:s13] =	ssyncset.done $0x0  }
0xd7: {  	[sflag:s13] =	ssyncadd.s32 $0xFFFFC000  }
0xd8: {  	s9 =	simm.s32 $0x14900;
	v1 =	vld.idx.msk [tilespmem:v0+s30+$0xFFFFFFC0 ss:$0x1], $0xffff  }
0xd9: {  	v2 =	vld [tilespmem:s9+$0x0]  }
0xda: {  	v3 =	vld.idx.msk [tilespmem:v0+s30+$0xFFFFFF40 ss:$0x1], $0xffff  }
0xdb: {  	v4 =	vld [tilespmem:s9+$0xFFFFFF00];
	_ =	sdelay $0x1  }
0xdc: {  	v5 =	vld.idx.msk [tilespmem:v0+s30+$0xFFFFFF80 ss:$0x1], $0xffff  }
0xdd: {  	v6 =	vld.idx.msk [tilespmem:v0+s30+$0x0 ss:$0x1], $0xffff  }
0xde: {  	v7 =	vld [tilespmem:s9+$0xFFFFFF80];
	v1 =	vmul.f32 v1, v2  }
0xdf: {  	v2 =	vld [tilespmem:s9+$0x80];
	v3 =	vmul.f32 v3, v4  }
0xe0: {  	v4 =	vld [tilespmem:s9+$0xFFFFFF10];
	[tilespmem:s9+$0x0] =	vst v1  }
0xe1: {  	[tilespmem:s9+$0xFFFFFF00] =	vst v3;
	v3 =	vld [tilespmem:s9+$0x10]  }
0xe2: {  	v1 =	vld.idx.msk [tilespmem:v0+s30+$0xFFFFFFD0 ss:$0x1], $0xffff  }
0xe3: {  	v5 =	vmul.f32 v5, v7;
	v8 =	vld.idx.msk [tilespmem:v0+s30+$0xFFFFFF50 ss:$0x1], $0xffff  }
0xe4: {  	s14 =	sadd.s32 $0x4040, s24;
	v7 =	vld [tilespmem:s9+$0xFFFFFF90];
	v2 =	vmul.f32 v6, v2  }
0xe5: {  	s16 =	sadd.s32 $0x40C0, s24;
	s15 =	sand.u32 $0x7F00, s14;
	[tilespmem:s9+$0xFFFFFF80] =	vst v5;
	v5 =	vld [tilespmem:s9+$0x90]  }
0xe6: {  	s17 =	sor.u32 $0x50, s16;
	v6 =	vld [tilespmem:s15+$0x6450];
	[tilespmem:s9+$0x80] =	vst v2  }
0xe7: {  	v1 =	vmul.f32 v1, v3;
	v2 =	vld [tilespmem:s17+$0x6400]  }
0xe8: {  	v3 =	vld [tilespmem:s9+$0xFFFFFF20];
	v4 =	vmul.f32 v8, v4  }
0xe9: {  	v8 =	vld [tilespmem:s9+$0xFFFFFFA0];
	[tilespmem:s9+$0x10] =	vst v1  }
0xea: {  	[tilespmem:s9+$0xFFFFFF10] =	vst v4;
	v4 =	vld [tilespmem:s9+$0x20]  }
0xeb: {  	v1 =	vmul.f32 v6, v7;
	v9 =	vld.idx.msk [tilespmem:v0+s30+$0xFFFFFFE0 ss:$0x1], $0xffff  }
0xec: {  	v6 =	vld.idx.msk [tilespmem:v0+s30+$0xFFFFFF60 ss:$0x1], $0xffff;
	v2 =	vmul.f32 v2, v5  }
0xed: {  	[tilespmem:s9+$0xFFFFFF90] =	vst v1;
	v5 =	vld [tilespmem:s9+$0xA0]  }
0xee: {  	s18 =	sor.u32 $0x60, s16;
	v7 =	vld [tilespmem:s15+$0x6460];
	[tilespmem:s9+$0x90] =	vst v2  }
0xef: {  	v10 =	vld [tilespmem:s18+$0x6400]  }
0xf0: {  	v1 =	vld [tilespmem:s9+$0xFFFFFF30];
	v4 =	vmul.f32 v9, v4  }
0xf1: {  	v2 =	vld [tilespmem:s9+$0xFFFFFFB0];
	v6 =	vmul.f32 v6, v3  }
0xf2: {  	v3 =	vld [tilespmem:s9+$0xB0];
	[tilespmem:s9+$0x20] =	vst v4  }
0xf3: {  	v7 =	vmul.f32 v7, v8;
	[tilespmem:s9+$0xFFFFFF20] =	vst v6;
	v6 =	vld [tilespmem:s9+$0x30]  }
0xf4: {  	v4 =	vld.idx.msk [tilespmem:v0+s30+$0xFFFFFFF0 ss:$0x1], $0xffff;
	v8 =	vmul.f32 v10, v5  }
0xf5: {  	[tilespmem:s9+$0xFFFFFFA0] =	vst v7;
	v5 =	vld.idx.msk [tilespmem:v0+s30+$0xFFFFFF70 ss:$0x1], $0xffff  }
0xf6: {  	s19 =	sor.u32 $0x70, s16;
	s16 =	sadd.s32 $0x100, s30;
	v7 =	vld [tilespmem:s15+$0x6470];
	[tilespmem:s9+$0xA0] =	vst v8  }
0xf7: {  	s12 =	sor.u32 $0x100, s7;
	s14 =	simm.s32 $0x0;
	s13 =	simm.s32 $0x14900;
	v8 =	vld [tilespmem:s19+$0x6400]  }
.LBB2_7:
0xf8: {  	v9 =	vld.idx.msk [tilespmem:v0+s16+$0xFFFFFFC0 ss:$0x1], $0xffff;
	s14 =	sadd.s32 $0x4, s14;
	s9 =	sadd.s32 $0x200, s9  }
0xf9: {  	v10 =	vld [tilespmem:s9+$0x0];
	p1 =	slt.u32 s14, $0x7C;
	v4 =	vmul.f32 v4, v6  }
0xfa: {  	v6 =	vld.idx.msk [tilespmem:v0+s16+$0xFFFFFF40 ss:$0x1], $0xffff  }
0xfb: {  	v1 =	vmul.f32 v5, v1;
	v11 =	vld [tilespmem:s9+$0xFFFFFF00];
	v2 =	vmul.f32 v7, v2;
	[tilespmem:s13+$0x30] =	vst v4  }
0xfc: {  	v4 =	vld.idx.msk [tilespmem:v0+s16+$0xFFFFFF80 ss:$0x1], $0xffff;
	v3 =	vmul.f32 v8, v3  }
0xfd: {  	v5 =	vld.idx.msk [tilespmem:v0+s16+$0x0 ss:$0x1], $0xffff;
	[tilespmem:s13+$0xFFFFFF30] =	vst v1  }
0xfe: {  	v1 =	vld [tilespmem:s9+$0xFFFFFF80];
	v7 =	vmul.f32 v9, v10;
	[tilespmem:s13+$0xFFFFFFB0] =	vst v2  }
0xff: {  	v2 =	vld [tilespmem:s9+$0x80];
	[tilespmem:s13+$0xB0] =	vst v3;
	s13 =	smov.u32 s9  }
0x100: {  	v3 =	vmul.f32 v6, v11;
	v6 =	vld [tilespmem:s9+$0xFFFFFF10];
	[tilespmem:s9+$0x0] =	vst v7  }
0x101: {  	v7 =	vld.idx.msk [tilespmem:v0+s16+$0xFFFFFFD0 ss:$0x1], $0xffff  }
0x102: {  	[tilespmem:s9+$0xFFFFFF00] =	vst v3;
	v3 =	vld [tilespmem:s9+$0x10]  }
0x103: {  	s24 =	sadd.s32 $0x100, s24;
	v8 =	vld.idx.msk [tilespmem:v0+s16+$0xFFFFFF50 ss:$0x1], $0xffff;
	v1 =	vmul.f32 v4, v1  }
0x104: {  	s15 =	sadd.s32 $0x4040, s24;
	v4 =	vld [tilespmem:s9+$0xFFFFFF90];
	v2 =	vmul.f32 v5, v2  }
0x105: {  	s17 =	sadd.s32 $0x40C0, s24;
	s15 =	sand.u32 $0x7F00, s15;
	[tilespmem:s9+$0xFFFFFF80] =	vst v1;
	v1 =	vld [tilespmem:s9+$0x90]  }
0x106: {  	s18 =	sor.u32 $0x50, s17;
	v5 =	vld [tilespmem:s15+$0x6450];
	[tilespmem:s9+$0x80] =	vst v2  }
0x107: {  	v2 =	vmul.f32 v7, v3;
	v3 =	vld [tilespmem:s18+$0x6400]  }
0x108: {  	v7 =	vld [tilespmem:s9+$0xFFFFFF20]  }
0x109: {  	v6 =	vmul.f32 v8, v6;
	v8 =	vld [tilespmem:s9+$0xFFFFFFA0];
	[tilespmem:s9+$0x10] =	vst v2  }
0x10a: {  	v2 =	vld.idx.msk [tilespmem:v0+s16+$0xFFFFFFE0 ss:$0x1], $0xffff  }
0x10b: {  	[tilespmem:s9+$0xFFFFFF10] =	vst v6;
	v4 =	vmul.f32 v5, v4;
	v5 =	vld [tilespmem:s9+$0x20]  }
0x10c: {  	v6 =	vld.idx.msk [tilespmem:v0+s16+$0xFFFFFF60 ss:$0x1], $0xffff;
	v1 =	vmul.f32 v3, v1  }
0x10d: {  	[tilespmem:s9+$0xFFFFFF90] =	vst v4;
	v9 =	vld [tilespmem:s9+$0xA0]  }
0x10e: {  	s18 =	sor.u32 $0x60, s17;
	v4 =	vld [tilespmem:s15+$0x6460];
	[tilespmem:s9+$0x90] =	vst v1  }
0x10f: {  	v10 =	vld [tilespmem:s18+$0x6400]  }
0x110: {  	v1 =	vld [tilespmem:s9+$0xFFFFFF30];
	v3 =	vmul.f32 v2, v5  }
0x111: {  	v2 =	vld [tilespmem:s9+$0xFFFFFFB0]  }
0x112: {  	v5 =	vmul.f32 v6, v7;
	[tilespmem:s9+$0x20] =	vst v3;
	v3 =	vld [tilespmem:s9+$0xB0]  }
.Ltmp4:
0x113: {  	v7 =	vmul.f32 v4, v8;
	v4 =	vld.idx.msk [tilespmem:v0+s16+$0xFFFFFFF0 ss:$0x1], $0xffff;
	(pc) =	sbr.rel @p1 .LBB2_7-.Ltmp4, $4  }
0x114: {  	[tilespmem:s9+$0xFFFFFF20] =	vst v5;
	v6 =	vld [tilespmem:s9+$0x30];
	v8 =	vmul.f32 v10, v9  }
0x115: {  	v5 =	vld.idx.msk [tilespmem:v0+s16+$0xFFFFFF70 ss:$0x1], $0xffff;
	[tilespmem:s9+$0xFFFFFFA0] =	vst v7  }
0x116: {  	v7 =	vld [tilespmem:s15+$0x6470];
	[tilespmem:s9+$0xA0] =	vst v8;
	s15 =	sor.u32 $0x70, s17  }
0x117: {  	s16 =	sadd.s32 $0x100, s16;
	v8 =	vld [tilespmem:s15+$0x6400]  }
0x118: {  	_ = 	snop  }
0x119: {  	v0 =	vmul.f32 v4, v6  }
0x11a: {  	v1 =	vmul.f32 v5, v1  }
0x11b: {  	v2 =	vmul.f32 v7, v2;
	[tilespmem:s13+$0x30] =	vst v0  }
0x11c: {  	s9 =	sadd.s32 s5, s12;
	v0 =	vmul.f32 v8, v3;
	[tilespmem:s13+$0xFFFFFF30] =	vst v1  }
0x11d: {  	s9 =	sshll.u32 s9, $0x4;
	[tilespmem:s13+$0xFFFFFFB0] =	vst v2  }
0x11e: {  	s18 =	simm.s32 $0x14800;
	s9 =	sadd.s32 s4, s9;
	[tilespmem:s13+$0xB0] =	vst v0  }
0x11f: {  	[hbm4b:s9+s6] =	stream.linear.scatter [tilespmem:s18], [sflag:$0x7], $0x4000, $0x38;
	[tilespmem:$0x1C800] =	vst v63  }
0x120: {  	s9 =	simm.s32 @!p0 $0x6  }
0x121: {  	_ =	swait.ge @!p0 [sflag:s9], $0x4000  }
0x122: {  	s24 =	sshra.s32 s22, $0x2;
	s12 =	sadd.s32 @!p0 $0x280, s25;
	[sflag:s9] =	ssyncset.done @!p0 $0x0  }
0x123: {  	s14 =	simm.s32 @!p0 $0x10800;
	s13 =	simm.s32 @!p0 $0x80;
	v0 =	vmov s24;
	[sflag:s9] =	ssyncadd.s32 @!p0 $0xFFFFC000  }
0x124: {  	[tilespmem:s14], [sflag:$0x2] =	stream.indirect.gather @!p0 [hbm4b:s1+s13], $0x80, s12, s13, $0xb8;
	[tilespmem:$0x1C800] =	vst v63  }
0x125: {  	_ =	swait.ge [sflag:s20], $0x4000  }
0x126: {  	[sflag:s20] =	ssyncset.done $0x0  }
0x127: {  	[sflag:s20] =	ssyncadd.s32 $0xFFFFC000  }
0x128: {  	s9 =	simm.s32 $0x18900;
	v1 =	vld.idx.msk [tilespmem:v0+s2+$0xFFFFFFC0 ss:$0x1], $0xffff  }
0x129: {  	v2 =	vld [tilespmem:s9+$0x0]  }
0x12a: {  	v3 =	vld.idx.msk [tilespmem:v0+s2+$0xFFFFFF40 ss:$0x1], $0xffff  }
0x12b: {  	v4 =	vld [tilespmem:s9+$0xFFFFFF00];
	_ =	sdelay $0x1  }
0x12c: {  	v5 =	vld.idx.msk [tilespmem:v0+s2+$0xFFFFFF80 ss:$0x1], $0xffff  }
0x12d: {  	v6 =	vld.idx.msk [tilespmem:v0+s2+$0x0 ss:$0x1], $0xffff  }
0x12e: {  	v7 =	vld [tilespmem:s9+$0xFFFFFF80];
	v1 =	vmul.f32 v1, v2  }
0x12f: {  	v2 =	vld [tilespmem:s9+$0x80];
	v3 =	vmul.f32 v3, v4  }
0x130: {  	v4 =	vld [tilespmem:s9+$0xFFFFFF10];
	[tilespmem:s9+$0x0] =	vst v1  }
0x131: {  	[tilespmem:s9+$0xFFFFFF00] =	vst v3;
	v3 =	vld [tilespmem:s9+$0x10]  }
0x132: {  	v1 =	vld.idx.msk [tilespmem:v0+s2+$0xFFFFFFD0 ss:$0x1], $0xffff  }
0x133: {  	v5 =	vmul.f32 v5, v7;
	v8 =	vld.idx.msk [tilespmem:v0+s2+$0xFFFFFF50 ss:$0x1], $0xffff  }
0x134: {  	s15 =	sadd.s32 $0x6040, s8;
	v7 =	vld [tilespmem:s9+$0xFFFFFF90];
	v2 =	vmul.f32 v6, v2  }
0x135: {  	s17 =	sadd.s32 $0x60C0, s8;
	s16 =	sor.u32 $0x50, s15;
	[tilespmem:s9+$0xFFFFFF80] =	vst v5;
	v5 =	vld [tilespmem:s9+$0x90]  }
0x136: {  	s19 =	sor.u32 $0x50, s17;
	v6 =	vld [tilespmem:s16+$0x6400];
	[tilespmem:s9+$0x80] =	vst v2  }
0x137: {  	v1 =	vmul.f32 v1, v3;
	v2 =	vld [tilespmem:s19+$0x6400]  }
0x138: {  	v3 =	vld [tilespmem:s9+$0xFFFFFF20];
	v4 =	vmul.f32 v8, v4  }
0x139: {  	v8 =	vld [tilespmem:s9+$0xFFFFFFA0];
	[tilespmem:s9+$0x10] =	vst v1  }
0x13a: {  	[tilespmem:s9+$0xFFFFFF10] =	vst v4;
	v4 =	vld [tilespmem:s9+$0x20]  }
0x13b: {  	v1 =	vmul.f32 v6, v7;
	v9 =	vld.idx.msk [tilespmem:v0+s2+$0xFFFFFFE0 ss:$0x1], $0xffff  }
0x13c: {  	v6 =	vld.idx.msk [tilespmem:v0+s2+$0xFFFFFF60 ss:$0x1], $0xffff;
	v2 =	vmul.f32 v2, v5  }
0x13d: {  	s22 =	sor.u32 $0x60, s15;
	[tilespmem:s9+$0xFFFFFF90] =	vst v1;
	v5 =	vld [tilespmem:s9+$0xA0]  }
0x13e: {  	s24 =	sor.u32 $0x60, s17;
	v7 =	vld [tilespmem:s22+$0x6400];
	[tilespmem:s9+$0x90] =	vst v2  }
0x13f: {  	v10 =	vld [tilespmem:s24+$0x6400]  }
0x140: {  	v1 =	vld [tilespmem:s9+$0xFFFFFF30];
	v4 =	vmul.f32 v9, v4  }
0x141: {  	v2 =	vld [tilespmem:s9+$0xFFFFFFB0];
	v6 =	vmul.f32 v6, v3  }
0x142: {  	v3 =	vld [tilespmem:s9+$0xB0];
	[tilespmem:s9+$0x20] =	vst v4  }
0x143: {  	v7 =	vmul.f32 v7, v8;
	[tilespmem:s9+$0xFFFFFF20] =	vst v6;
	v6 =	vld [tilespmem:s9+$0x30]  }
0x144: {  	v4 =	vld.idx.msk [tilespmem:v0+s2+$0xFFFFFFF0 ss:$0x1], $0xffff;
	v8 =	vmul.f32 v10, v5  }
0x145: {  	s12 =	sor.u32 $0x70, s15;
	[tilespmem:s9+$0xFFFFFFA0] =	vst v7;
	v5 =	vld.idx.msk [tilespmem:v0+s2+$0xFFFFFF70 ss:$0x1], $0xffff  }
0x146: {  	s25 =	sor.u32 $0x70, s17;
	v7 =	vld [tilespmem:s12+$0x6400];
	[tilespmem:s9+$0xA0] =	vst v8  }
0x147: {  	s13 =	simm.s32 $0x0;
	s14 =	sadd.s32 $0x100, s2;
	s12 =	simm.s32 $0x18900;
	v8 =	vld [tilespmem:s25+$0x6400]  }
.LBB2_9:
0x148: {  	v9 =	vld.idx.msk [tilespmem:v0+s14+$0xFFFFFFC0 ss:$0x1], $0xffff;
	s13 =	sadd.s32 $0x4, s13;
	s9 =	sadd.s32 $0x200, s9  }
0x149: {  	v10 =	vld [tilespmem:s9+$0x0];
	p1 =	slt.u32 s13, $0x7C;
	v4 =	vmul.f32 v4, v6  }
0x14a: {  	v6 =	vld.idx.msk [tilespmem:v0+s14+$0xFFFFFF40 ss:$0x1], $0xffff  }
0x14b: {  	v1 =	vmul.f32 v5, v1;
	v11 =	vld [tilespmem:s9+$0xFFFFFF00];
	v2 =	vmul.f32 v7, v2;
	[tilespmem:s12+$0x30] =	vst v4  }
0x14c: {  	v4 =	vld.idx.msk [tilespmem:v0+s14+$0xFFFFFF80 ss:$0x1], $0xffff;
	v3 =	vmul.f32 v8, v3  }
0x14d: {  	v5 =	vld.idx.msk [tilespmem:v0+s14+$0x0 ss:$0x1], $0xffff;
	[tilespmem:s12+$0xFFFFFF30] =	vst v1  }
0x14e: {  	v1 =	vld [tilespmem:s9+$0xFFFFFF80];
	v7 =	vmul.f32 v9, v10;
	[tilespmem:s12+$0xFFFFFFB0] =	vst v2  }
0x14f: {  	v2 =	vld [tilespmem:s9+$0x80];
	[tilespmem:s12+$0xB0] =	vst v3;
	s12 =	smov.u32 s9  }
0x150: {  	v3 =	vmul.f32 v6, v11;
	v6 =	vld [tilespmem:s9+$0xFFFFFF10];
	[tilespmem:s9+$0x0] =	vst v7  }
0x151: {  	v7 =	vld.idx.msk [tilespmem:v0+s14+$0xFFFFFFD0 ss:$0x1], $0xffff  }
0x152: {  	[tilespmem:s9+$0xFFFFFF00] =	vst v3;
	v3 =	vld [tilespmem:s9+$0x10]  }
0x153: {  	s8 =	sadd.s32 $0x100, s8;
	v8 =	vld.idx.msk [tilespmem:v0+s14+$0xFFFFFF50 ss:$0x1], $0xffff;
	v1 =	vmul.f32 v4, v1  }
0x154: {  	s15 =	sadd.s32 $0x6040, s8;
	v4 =	vld [tilespmem:s9+$0xFFFFFF90];
	v2 =	vmul.f32 v5, v2  }
0x155: {  	s17 =	sadd.s32 $0x60C0, s8;
	s16 =	sor.u32 $0x50, s15;
	[tilespmem:s9+$0xFFFFFF80] =	vst v1;
	v1 =	vld [tilespmem:s9+$0x90]  }
0x156: {  	v5 =	vld [tilespmem:s16+$0x6400];
	[tilespmem:s9+$0x80] =	vst v2;
	s16 =	sor.u32 $0x50, s17  }
0x157: {  	v2 =	vmul.f32 v7, v3;
	v3 =	vld [tilespmem:s16+$0x6400]  }
0x158: {  	v7 =	vld [tilespmem:s9+$0xFFFFFF20]  }
0x159: {  	v6 =	vmul.f32 v8, v6;
	v8 =	vld [tilespmem:s9+$0xFFFFFFA0];
	[tilespmem:s9+$0x10] =	vst v2  }
0x15a: {  	v2 =	vld.idx.msk [tilespmem:v0+s14+$0xFFFFFFE0 ss:$0x1], $0xffff  }
0x15b: {  	[tilespmem:s9+$0xFFFFFF10] =	vst v6;
	v4 =	vmul.f32 v5, v4;
	v5 =	vld [tilespmem:s9+$0x20]  }
0x15c: {  	v6 =	vld.idx.msk [tilespmem:v0+s14+$0xFFFFFF60 ss:$0x1], $0xffff;
	v1 =	vmul.f32 v3, v1  }
0x15d: {  	s16 =	sor.u32 $0x60, s15;
	[tilespmem:s9+$0xFFFFFF90] =	vst v4;
	v9 =	vld [tilespmem:s9+$0xA0]  }
0x15e: {  	v4 =	vld [tilespmem:s16+$0x6400];
	[tilespmem:s9+$0x90] =	vst v1;
	s16 =	sor.u32 $0x60, s17  }
0x15f: {  	v10 =	vld [tilespmem:s16+$0x6400]  }
0x160: {  	v1 =	vld [tilespmem:s9+$0xFFFFFF30];
	v3 =	vmul.f32 v2, v5  }
0x161: {  	v2 =	vld [tilespmem:s9+$0xFFFFFFB0]  }
0x162: {  	v5 =	vmul.f32 v6, v7;
	[tilespmem:s9+$0x20] =	vst v3;
	v3 =	vld [tilespmem:s9+$0xB0]  }
.Ltmp5:
0x163: {  	v7 =	vmul.f32 v4, v8;
	v4 =	vld.idx.msk [tilespmem:v0+s14+$0xFFFFFFF0 ss:$0x1], $0xffff;
	(pc) =	sbr.rel @p1 .LBB2_9-.Ltmp5, $4  }
0x164: {  	[tilespmem:s9+$0xFFFFFF20] =	vst v5;
	v6 =	vld [tilespmem:s9+$0x30];
	v8 =	vmul.f32 v10, v9  }
0x165: {  	s15 =	sor.u32 $0x70, s15;
	v5 =	vld.idx.msk [tilespmem:v0+s14+$0xFFFFFF70 ss:$0x1], $0xffff;
	[tilespmem:s9+$0xFFFFFFA0] =	vst v7  }
0x166: {  	v7 =	vld [tilespmem:s15+$0x6400];
	[tilespmem:s9+$0xA0] =	vst v8;
	s15 =	sor.u32 $0x70, s17  }
0x167: {  	s14 =	sadd.s32 $0x100, s14;
	v8 =	vld [tilespmem:s15+$0x6400]  }
0x168: {  	_ = 	snop  }
0x169: {  	v0 =	vmul.f32 v4, v6  }
0x16a: {  	v1 =	vmul.f32 v5, v1  }
.Ltmp6:
0x16b: {  	v2 =	vmul.f32 v7, v2;
	[tilespmem:s12+$0x30] =	vst v0;
	(pc) =	sbr.rel @p0 .LBB2_12-.Ltmp6, $4  }
0x16c: {  	s8 =	sadd.s32 s5, s21;
	v63 =	vmul.f32 v8, v3;
	[tilespmem:s12+$0xFFFFFF30] =	vst v1  }
0x16d: {  	s8 =	sshll.u32 s8, $0x4;
	[tilespmem:s12+$0xFFFFFFB0] =	vst v2  }
0x16e: {  	s9 =	simm.s32 $0x18800;
	s8 =	sadd.s32 s4, s8;
	[tilespmem:s12+$0xB0] =	vst v63  }
0x16f: {  	[hbm4b:s8+s6] =	stream.linear.scatter [tilespmem:s9], [sflag:$0x8], $0x4000, $0x38;
	[tilespmem:$0x1C800] =	vst v63  }
0x170: {  	_ =	swait.ge [sflag:s23], $0x4000;
	s7 =	sand.u32 $0x3FFFFE00, s7  }
0x171: {  	s8 =	simm.s32 $0x80;
	s3 =	sadd.s32 $0x1, s3;
	s11 =	sadd.s32 $0x200, s11  }
.Ltmp7:
0x172: {  	s28 =	sadd.s32 $0x8000, s28;
	s10 =	sadd.s32 $0x8000, s10;
	(pc) =	sbr.rel .LBB2_2-.Ltmp7, $4  }
0x173: {  	s0 =	sadd.s32 $0x200, s0;
	s29 =	sadd.s32 $0x8000, s29;
	s26 =	sadd.s32 $0x200, s26  }
0x174: {  	s30 =	sadd.s32 $0x8000, s30;
	s31 =	sadd.s32 $0x200, s31;
	[sflag:s23] =	ssyncset.done $0x0  }
0x175: {  	s2 =	sadd.s32 $0x8000, s2;
	s7 =	sadd.s32 $0x300, s7;
	[sflag:s23] =	ssyncadd.s32 $0xFFFFC000  }
0x176: {  	[tilespmem:s18], [sflag:$0x3] =	stream.indirect.gather [hbm4b:s1+s8], $0x80, s7, s8, $0xb8;
	[tilespmem:$0x1C800] =	vst v63  }
.LBB2_13:
0x177: {  	_ =	sfence.sel $0x180000  }
0x178: {  	[bflag:$0x0] =	sbarrier.arrive $0xFFFF  }
0x179: {  	_ =	strace $0x90000047  }
0x17a: {  	s0 =	stileid.u32;
	[bflag:$0x2] =	sbarrier.arrive $0xFFFF  }
0x17b: {  	p0 =	sne.s32 s0, $0x0;
	s0 =	rddreg [dreg:$0x4]  }
0x17c: {  	s0 =	sadd.s32 @!p0 $0x100000, s0  }
0x17d: {  	[sflag:s0] =	ssyncadd.tile.s32 @!p0 $0x1;
	_ =	shalt  }
.Lfunc_end2:
_tile_overlayer_lowered:
.L_overlay_start_2:
0x17e: {  	(tag) =	ssettag $0x2  }
0x17f: {  	s0 =	rddreg [dreg:$0x0];
	s2 =	stileid.u32  }
0x180: {  	s1 =	rddreg [dreg:$0x1];
	p0 =	sne.s32 s2, $0x0  }
0x181: {  	s3 =	rddreg [dreg:$0x2];
	[bflag:$0x3] =	sbarrier.arrive $0xFFFF;
	s2 =	simm.s32 @!p0 $0x1C09  }
0x182: {  	[timem:s3], [sflag:s2] =	dma.local @!p0 [hbm:s0], s1  }
0x183: {  	s0 =	simm.s32 @!p0 $0x9  }
0x184: {  	_ =	swait.ge @!p0 [sflag:s0], s1  }
0x185: {  	s1 =	ssub.s32 @!p0 $0x0, s1;
	[sflag:s0] =	ssyncset.done @!p0 $0x0  }
0x186: {  	[sflag:s0] =	ssyncadd.s32 @!p0 s1  }
0x187: {  	[bflag:$0x3] =	sbarrier.arrive $0xFFFF  }
0x188: {  	_ =	shalt  }

</sc_bundles>
